<compile_context>
chip_gen: v7x
topology: tpu7x:2x2x1
jax: 0.10.2.dev20260603
libtpu: 0.0.44.dev20260713+nightly
codegen_flags: <defaults>
</compile_context>

<pallas_src>
import functools

import jax
import jax.numpy as jnp
from jax import lax
from jax.experimental import pallas as pl
from jax.experimental.pallas import tpu as pltpu
from jax.experimental.pallas import tpu_sc as plsc

N = 10000
E = 160000
D = 256
HD = 128
NP = 10240
EP = 163840
RB = 2048
NBLK = NP // RB
EROWS = EP // 128

NSC = 2
NTILE = 16

DEG_ROWS_PER_TILE = EP // (NSC * NTILE) // 128
SCAT_ROWS_PER_TILE = EP // NTILE // 128
NODE_ROWS_PER_TILE = NP // NTILE


def _deg_body(dst_hbm, ones_hbm, zeros_hbm, deg_out, deg_sh, dst_v, ones_v):
    c = lax.axis_index("c")
    s = lax.axis_index("s")
    w = c * NTILE + s
    nslc = pl.ds(s * NODE_ROWS_PER_TILE, NODE_ROWS_PER_TILE)
    pltpu.sync_copy(zeros_hbm.at[nslc], deg_sh.at[nslc])
    pltpu.sync_copy(
        dst_hbm.at[pl.ds(w * DEG_ROWS_PER_TILE, DEG_ROWS_PER_TILE)], dst_v)
    pltpu.sync_copy(ones_hbm, ones_v)
    plsc.subcore_barrier()

    def chunk(i, carry):
        pltpu.sync_copy(ones_v, deg_sh.at[dst_v.at[i]], add=True)
        return carry

    lax.fori_loop(0, DEG_ROWS_PER_TILE, chunk, 0)
    plsc.subcore_barrier()
    pltpu.sync_copy(deg_sh.at[nslc], deg_out.at[c, nslc])


@functools.cache
def _deg_kernel():
    return pl.kernel(
        _deg_body,
        out_type=jax.ShapeDtypeStruct((NSC, NP, 128), jnp.float32),
        mesh=plsc.VectorSubcoreMesh(core_axis_name="c", subcore_axis_name="s",
                                    num_cores=NSC, num_subcores=NTILE),
        scratch_types=[
            pltpu.VMEM_SHARED((NP, 128), jnp.float32),
            pltpu.VMEM((DEG_ROWS_PER_TILE, 128), jnp.int32),
            pltpu.VMEM((128, 128), jnp.float32),
        ],
    )


def _scatter_body(y_hbm, src_hbm, dst_hbm, zeros_hbm, s_out,
                  s_sh, src_v, dst_v, rows0_v, rows1_v,
                  gsem0, gsem1, gsem0b, gsem1b):
    c = lax.axis_index("c")
    s = lax.axis_index("s")
    nslc = pl.ds(s * NODE_ROWS_PER_TILE, NODE_ROWS_PER_TILE)
    pltpu.sync_copy(zeros_hbm.at[nslc], s_sh.at[nslc])
    plsc.subcore_barrier()

    half = SCAT_ROWS_PER_TILE // 2
    lo = pl.ds(0, 64)
    hi = pl.ds(64, 64)

    def gather(i, buf, sa, sb):
        pltpu.async_copy(y_hbm.at[src_v.at[i, lo]], buf.at[lo], sa)
        pltpu.async_copy(y_hbm.at[src_v.at[i, hi]], buf.at[hi], sb)

    def gwait(i, buf, sa, sb):
        pltpu.make_async_copy(y_hbm.at[src_v.at[i, lo]], buf.at[lo], sa).wait()
        pltpu.make_async_copy(y_hbm.at[src_v.at[i, hi]], buf.at[hi], sb).wait()

    def phase(p, carry):
        base = s * SCAT_ROWS_PER_TILE + p * half
        pltpu.sync_copy(src_hbm.at[c, pl.ds(base, half)], src_v)
        pltpu.sync_copy(dst_hbm.at[pl.ds(base, half)], dst_v)
        gather(0, rows0_v, gsem0, gsem0b)

        def pair(g, carry2):
            i0 = 2 * g
            i1 = 2 * g + 1
            gather(i1, rows1_v, gsem1, gsem1b)
            gwait(i0, rows0_v, gsem0, gsem0b)
            pltpu.sync_copy(rows0_v, s_sh.at[dst_v.at[i0]], add=True)

            @pl.when(g < half // 2 - 1)
            def _():
                gather(i0 + 2, rows0_v, gsem0, gsem0b)

            gwait(i1, rows1_v, gsem1, gsem1b)
            pltpu.sync_copy(rows1_v, s_sh.at[dst_v.at[i1]], add=True)
            return carry2

        lax.fori_loop(0, half // 2, pair, 0)
        return carry

    lax.fori_loop(0, 2, phase, 0)
    plsc.subcore_barrier()
    pltpu.sync_copy(s_sh.at[nslc],
                    s_out.at[pl.ds(c * NP + s * NODE_ROWS_PER_TILE,
                                   NODE_ROWS_PER_TILE)])


@functools.cache
def _scatter_kernel():
    return pl.kernel(
        _scatter_body,
        out_type=jax.ShapeDtypeStruct((NSC * NP, HD), jnp.float32),
        mesh=plsc.VectorSubcoreMesh(core_axis_name="c", subcore_axis_name="s",
                                    num_cores=NSC, num_subcores=NTILE),
        scratch_types=[
            pltpu.VMEM_SHARED((NP, HD), jnp.float32),
            pltpu.VMEM((SCAT_ROWS_PER_TILE // 2, 128), jnp.int32),
            pltpu.VMEM((SCAT_ROWS_PER_TILE // 2, 128), jnp.int32),
            pltpu.VMEM((128, HD), jnp.float32),
            pltpu.VMEM((128, HD), jnp.float32),
            pltpu.SemaphoreType.DMA,
            pltpu.SemaphoreType.DMA,
            pltpu.SemaphoreType.DMA,
            pltpu.SemaphoreType.DMA,
        ],
    )


def _matmul_scale_body(x_ref, w_ref, degs_ref, y_ref, dis_ref):
    i = pl.program_id(0)
    h = jnp.dot(x_ref[...], w_ref[...], preferred_element_type=jnp.float32)
    deg = 1.0 + jnp.sum(degs_ref[...], axis=(0, 2))
    dis = lax.rsqrt(deg)[:, None]
    rowid = lax.broadcasted_iota(jnp.int32, (RB, 1), 0) + i * RB
    dis_m = jnp.where(rowid < N, dis, 0.0)
    y_ref[0] = h[:, :HD] * dis_m
    y_ref[1] = h[:, HD:] * dis_m
    dis_ref[...] = dis


def _final_body(x_ref, sa_ref, sb_ref, ya_ref, yb_ref, dis_ref,
                bias_ref, w1_ref, w2_ref, w3_ref, out_ref):
    dis = dis_ref[...]
    bias = bias_ref[...]
    x = x_ref[...]
    ha = jax.nn.relu(dis * (sa_ref[...] + ya_ref[...]) + bias[0:1, :]) + x[:, :HD]
    hb = jax.nn.relu(dis * (sb_ref[...] + yb_ref[...]) + bias[1:2, :]) + x[:, HD:]
    w1 = w1_ref[...]
    h1 = jax.nn.relu(
        jnp.dot(ha, w1[:HD], preferred_element_type=jnp.float32)
        + jnp.dot(hb, w1[HD:], preferred_element_type=jnp.float32)
        + bias[2:3, :])
    h2 = jax.nn.relu(
        jnp.dot(h1, w2_ref[...], preferred_element_type=jnp.float32)
        + bias[3:4, :])
    h3 = (jnp.dot(h2, w3_ref[...], preferred_element_type=jnp.float32)
          + bias[4:5, :])
    out_ref[...] = h3[:, 0:1]


def kernel(x, edge_index, W_conv, b_conv, W1, b1, W2, b2, W3, b3):
    f32 = jnp.float32
    src = edge_index[0]
    dst = edge_index[1]
    src_p = jnp.concatenate([src, jnp.full((EP - E,), N, jnp.int32)])
    dst_p = jnp.concatenate([dst, jnp.full((EP - E,), N, jnp.int32)])
    src2 = jnp.stack([src_p, src_p + NP]).reshape(NSC, EROWS, 128)
    dst_r = dst_p.reshape(EROWS, 128)
    ones128 = jnp.zeros((128, 128), f32).at[:, 0].set(1.0)
    zeros128 = jnp.zeros((NP, HD), f32)

    degs = _deg_kernel()(dst_r, ones128, zeros128)

    wct = W_conv.T
    y3 = pl.pallas_call(
        _matmul_scale_body,
        grid=(NBLK,),
        in_specs=[
            pl.BlockSpec((RB, D), lambda i: (i, 0)),
            pl.BlockSpec((D, D), lambda i: (0, 0)),
            pl.BlockSpec((NSC, RB, 128), lambda i: (0, i, 0)),
        ],
        out_specs=[
            pl.BlockSpec((NSC, RB, HD), lambda i: (0, i, 0)),
            pl.BlockSpec((RB, 1), lambda i: (i, 0)),
        ],
        out_shape=[
            jax.ShapeDtypeStruct((NSC, NP, HD), f32),
            jax.ShapeDtypeStruct((NP, 1), f32),
        ],
    )(x, wct, degs)
    y3, dis_col = y3
    y_flat = y3.reshape(NSC * NP, HD)

    s_flat = _scatter_kernel()(y_flat, src2, dst_r, zeros128)

    bias = jnp.zeros((8, 128), f32)
    bias = bias.at[0, :].set(b_conv[:HD])
    bias = bias.at[1, :].set(b_conv[HD:])
    bias = bias.at[2, :32].set(b1)
    bias = bias.at[3, :32].set(b2)
    bias = bias.at[4, 0].set(b3[0])
    w1p = jnp.zeros((D, 128), f32).at[:, :32].set(W1.T)
    w2p = jnp.zeros((128, 128), f32).at[:32, :32].set(W2.T)
    w3p = jnp.zeros((128, 128), f32).at[:32, 0].set(W3[0])

    out = pl.pallas_call(
        _final_body,
        grid=(NBLK,),
        in_specs=[
            pl.BlockSpec((RB, D), lambda i: (i, 0)),
            pl.BlockSpec((RB, HD), lambda i: (i, 0)),
            pl.BlockSpec((RB, HD), lambda i: (i + NBLK, 0)),
            pl.BlockSpec((RB, HD), lambda i: (i, 0)),
            pl.BlockSpec((RB, HD), lambda i: (i + NBLK, 0)),
            pl.BlockSpec((RB, 1), lambda i: (i, 0)),
            pl.BlockSpec((8, 128), lambda i: (0, 0)),
            pl.BlockSpec((D, 128), lambda i: (0, 0)),
            pl.BlockSpec((128, 128), lambda i: (0, 0)),
            pl.BlockSpec((128, 128), lambda i: (0, 0)),
        ],
        out_specs=pl.BlockSpec((RB, 1), lambda i: (i, 0)),
        out_shape=jax.ShapeDtypeStruct((NP, 1), f32),
    )(x, s_flat, s_flat, y_flat, y_flat, dis_col, bias, w1p, w2p, w3p)
    return out[:N]

# --- scband reference (transcript-rebuilt; emitter-appended) ---
"""Pipeline reference for scband-gnnactor-26938034880702 (READ-ONLY COPY).

The authoritative reference and input builder live on the scoring server;
editing this copy changes nothing except your own understanding.
"""

import jax, jax.numpy as jnp
import numpy as np

N = 10000
E = 160000
D = 256
H = 32


def setup_inputs(seed: int = 0) -> dict:
    key = jax.random.key(seed)
    ks = jax.random.split(key, 12)
    x = jax.random.normal(ks[0], (N, D), dtype=jnp.float32)
    edge_index = jax.random.randint(ks[1], (2, E), 0, N, dtype=jnp.int32)
    # GCNConv(in_channels=256, in_channels=256) weight + bias
    W_conv = jax.random.normal(ks[2], (D, D), dtype=jnp.float32) * (1.0 / np.sqrt(D))
    b_conv = jnp.zeros((D,), dtype=jnp.float32)
    # lin1: 256 -> 32, lin2: 32 -> 32, lin3: 32 -> 1 (torch Linear: W[out,in])
    W1 = jax.random.normal(ks[3], (H, D), dtype=jnp.float32) * (1.0 / np.sqrt(D))
    b1 = jax.random.normal(ks[4], (H,), dtype=jnp.float32) * 0.01
    W2 = jax.random.normal(ks[5], (H, H), dtype=jnp.float32) * (1.0 / np.sqrt(H))
    b2 = jax.random.normal(ks[6], (H,), dtype=jnp.float32) * 0.01
    W3 = jax.random.normal(ks[7], (1, H), dtype=jnp.float32) * (1.0 / np.sqrt(H))
    b3 = jax.random.normal(ks[8], (1,), dtype=jnp.float32) * 0.01
    return {"x": x, "edge_index": edge_index, "W_conv": W_conv, "b_conv": b_conv,
            "W1": W1, "b1": b1, "W2": W2, "b2": b2, "W3": W3, "b3": b3}


def gcn_conv(x, edge_index, W, b):
    # PyG GCNConv semantics: add self-loops, symmetric normalization, linear, scatter-add, bias
    n = x.shape[0]
    src = edge_index[0]
    dst = edge_index[1]
    loop = jnp.arange(n, dtype=src.dtype)
    src = jnp.concatenate([src, loop])
    dst = jnp.concatenate([dst, loop])
    deg = jnp.zeros((n,), dtype=x.dtype).at[dst].add(1.0)
    deg_inv_sqrt = jnp.where(deg > 0, deg ** -0.5, 0.0)
    norm = deg_inv_sqrt[src] * deg_inv_sqrt[dst]
    xw = x @ W.T
    msg = xw[src] * norm[:, None]
    agg = jnp.zeros((n, xw.shape[1]), dtype=x.dtype).at[dst].add(msg)
    return agg + b


def reference(x, edge_index, W_conv, b_conv, W1, b1, W2, b2, W3, b3):
    out = jax.nn.relu(gcn_conv(x, edge_index, W_conv, b_conv))
    h = out + x
    h = jax.nn.relu(h @ W1.T + b1)
    h = jax.nn.relu(h @ W2.T + b2)
    h = h @ W3.T + b3
    return h

if __name__ == "__main__":
    import jax
    _d = setup_inputs()
    print(jax.jit(kernel)(*tuple(_d.values())))

</pallas_src>

<mosaic_0001>
#map = affine_map<(d0, d1) -> (0, 0)>
#map1 = affine_map<(d0, d1) -> (0, 0, 0)>
module attributes {stable_mosaic.version = 14 : i64} {
  func.func @_deg_body(%arg0: i32, %arg1: i32, %arg2: memref<1280x128xi32, #tpu.memory_space<hbm>>, %arg3: memref<128x128xf32, #tpu.memory_space<hbm>>, %arg4: memref<10240x128xf32, #tpu.memory_space<hbm>>, %arg5: memref<2x10240x128xf32, #tpu.memory_space<hbm>>, %arg6: memref<10240x128xf32, #tpu.memory_space<vmem_shared>>, %arg7: memref<40x128xi32, #tpu.memory_space<vmem>>, %arg8: memref<128x128xf32, #tpu.memory_space<vmem>>) attributes {dimension_semantics = [#tpu.dimension_semantics<core_parallel>, #tpu.dimension_semantics<subcore_parallel>], iteration_bounds = array<i64: 2, 16>, scalar_prefetch = 0 : i64, scratch_operands = 3 : i64, tpu.core_type = #tpu.core_type<sc_vector_subcore>, window_params = [{transform_indices = #map}, {transform_indices = #map}, {transform_indices = #map}, {transform_indices = #map1}]} {
    %mul3A = arith.constant 16 : i32
    %mul3A_0 = arith.muli %arg0, %mul3A : i32
    %add3A = arith.addi %mul3A_0, %arg1 : i32
    %mul3A_1 = arith.constant 640 : i32
    %mul3A_2 = arith.muli %arg1, %mul3A_1 : i32
    "tpu.region"() ({
      %run_scoped3A = tpu.sem_alloc : memref<!tpu.dma_semaphore, #tpu.memory_space<semaphore_mem>>
      %dma_start3A = arith.constant 0 : i32
      %dma_start3A_11 = tpu.memref_slice %arg6[%mul3A_2, %dma_start3A] : memref<10240x128xf32, #tpu.memory_space<vmem_shared>> -> memref<640x128xf32, #tpu.memory_space<vmem_shared>>
      %dma_start3A_12 = arith.constant 0 : i32
      %dma_start3A_13 = tpu.memref_slice %arg4[%mul3A_2, %dma_start3A_12] : memref<10240x128xf32, #tpu.memory_space<hbm>> -> memref<640x128xf32, #tpu.memory_space<hbm>>
      tpu.enqueue_dma source(%dma_start3A_13 : memref<640x128xf32, #tpu.memory_space<hbm>>) target(%dma_start3A_11 : memref<640x128xf32, #tpu.memory_space<vmem_shared>>) target_semaphore(%run_scoped3A : memref<!tpu.dma_semaphore, #tpu.memory_space<semaphore_mem>>)
      %dma_wait3A = arith.constant 0 : i32
      %dma_wait3A_14 = tpu.memref_slice %arg6[%mul3A_2, %dma_wait3A] : memref<10240x128xf32, #tpu.memory_space<vmem_shared>> -> memref<640x128xf32, #tpu.memory_space<vmem_shared>>
      %dma_wait3A_15 = arith.constant 0 : i32
      %dma_wait3A_16 = tpu.memref_slice %arg4[%mul3A_2, %dma_wait3A_15] : memref<10240x128xf32, #tpu.memory_space<hbm>> -> memref<640x128xf32, #tpu.memory_space<hbm>>
      tpu.wait_dma2 semaphore(%run_scoped3A : memref<!tpu.dma_semaphore, #tpu.memory_space<semaphore_mem>>) src(%dma_wait3A_16 : memref<640x128xf32, #tpu.memory_space<hbm>>) dst(%dma_wait3A_14 : memref<640x128xf32, #tpu.memory_space<vmem_shared>>)
      tpu.yield
    }) : () -> ()
    %mul3A_3 = arith.constant 40 : i32
    %mul3A_4 = arith.muli %add3A, %mul3A_3 : i32
    "tpu.region"() ({
      %run_scoped3A = tpu.sem_alloc : memref<!tpu.dma_semaphore, #tpu.memory_space<semaphore_mem>>
      %dma_start3A = arith.constant 0 : i32
      %dma_start3A_11 = tpu.memref_slice %arg2[%mul3A_4, %dma_start3A] : memref<1280x128xi32, #tpu.memory_space<hbm>> -> memref<40x128xi32, #tpu.memory_space<hbm>>
      %dma_start3A_12 = arith.constant 0 : i32
      %dma_start3A_13 = tpu.memref_slice %arg2[%mul3A_4, %dma_start3A_12] : memref<1280x128xi32, #tpu.memory_space<hbm>> -> memref<40x128xi32, #tpu.memory_space<hbm>>
      tpu.enqueue_dma source(%dma_start3A_13 : memref<40x128xi32, #tpu.memory_space<hbm>>) target(%arg7 : memref<40x128xi32, #tpu.memory_space<vmem>>) target_semaphore(%run_scoped3A : memref<!tpu.dma_semaphore, #tpu.memory_space<semaphore_mem>>)
      %dma_wait3A = arith.constant 0 : i32
      %dma_wait3A_14 = tpu.memref_slice %arg2[%mul3A_4, %dma_wait3A] : memref<1280x128xi32, #tpu.memory_space<hbm>> -> memref<40x128xi32, #tpu.memory_space<hbm>>
      %dma_wait3A_15 = arith.constant 0 : i32
      %dma_wait3A_16 = tpu.memref_slice %arg2[%mul3A_4, %dma_wait3A_15] : memref<1280x128xi32, #tpu.memory_space<hbm>> -> memref<40x128xi32, #tpu.memory_space<hbm>>
      tpu.wait_dma2 semaphore(%run_scoped3A : memref<!tpu.dma_semaphore, #tpu.memory_space<semaphore_mem>>) src(%dma_wait3A_16 : memref<40x128xi32, #tpu.memory_space<hbm>>) dst(%arg7 : memref<40x128xi32, #tpu.memory_space<vmem>>)
      tpu.yield
    }) : () -> ()
    "tpu.region"() ({
      %run_scoped3A = tpu.sem_alloc : memref<!tpu.dma_semaphore, #tpu.memory_space<semaphore_mem>>
      tpu.enqueue_dma source(%arg3 : memref<128x128xf32, #tpu.memory_space<hbm>>) target(%arg8 : memref<128x128xf32, #tpu.memory_space<vmem>>) target_semaphore(%run_scoped3A : memref<!tpu.dma_semaphore, #tpu.memory_space<semaphore_mem>>)
      tpu.wait_dma2 semaphore(%run_scoped3A : memref<!tpu.dma_semaphore, #tpu.memory_space<semaphore_mem>>) src(%arg3 : memref<128x128xf32, #tpu.memory_space<hbm>>) dst(%arg8 : memref<128x128xf32, #tpu.memory_space<vmem>>)
      tpu.yield
    }) : () -> ()
    %barrier3A = arith.constant 0 : index
    tpu.barrier barrier_id(%barrier3A)
    %scan3A = arith.constant 0 : i32
    %scan3A_5 = arith.constant 0 : i32
    %scan3A_6 = arith.constant 40 : i32
    %scan3A_7 = arith.addi %scan3A_5, %scan3A_6 : i32
    %scan3A_8 = arith.constant 1 : i32
    scf.for %scan3A_11 = %scan3A_5 to %scan3A_7 step %scan3A_8  : i32 {
      "tpu.region"() ({
        %run_scoped3A = tpu.sem_alloc : memref<!tpu.dma_semaphore, #tpu.memory_space<semaphore_mem>>
        %dma_start3A = arith.constant 0 : i32
        %dma_start3A_12 = tpu.memref_slice %arg7[%scan3A_11, %dma_start3A] : memref<40x128xi32, #tpu.memory_space<vmem>> -> memref<1x128xi32, #tpu.memory_space<vmem>>
        %dma_start3A_13 = tpu.memref_squeeze %dma_start3A_12 : memref<1x128xi32, #tpu.memory_space<vmem>> -> memref<128xi32, #tpu.memory_space<vmem>>
        %dma_start3A_14 = arith.constant 0 : i32
        %dma_start3A_15 = arith.constant 0 : i32
        %dma_start3A_16 = tpu.memref_slice %arg6[%dma_start3A_14, %dma_start3A_15] : memref<10240x128xf32, #tpu.memory_space<vmem_shared>> -> memref<10240x128xf32, #tpu.memory_space<vmem_shared>>
        tpu.enqueue_indirect_dma source(%arg8 : memref<128x128xf32, #tpu.memory_space<vmem>>) target(%dma_start3A_16 : memref<10240x128xf32, #tpu.memory_space<vmem_shared>>) offsets(%dma_start3A_13 : memref<128xi32, #tpu.memory_space<vmem>>) semaphore(%run_scoped3A : memref<!tpu.dma_semaphore, #tpu.memory_space<semaphore_mem>>) {add = true}
        %dma_wait3A = arith.constant 0 : i32
        %dma_wait3A_17 = tpu.memref_slice %arg7[%scan3A_11, %dma_wait3A] : memref<40x128xi32, #tpu.memory_space<vmem>> -> memref<1x128xi32, #tpu.memory_space<vmem>>
        %dma_wait3A_18 = tpu.memref_squeeze %dma_wait3A_17 : memref<1x128xi32, #tpu.memory_space<vmem>> -> memref<128xi32, #tpu.memory_space<vmem>>
        %dma_wait3A_19 = arith.constant 0 : i32
        %dma_wait3A_20 = arith.constant 0 : i32
        %dma_wait3A_21 = tpu.memref_slice %arg6[%dma_wait3A_19, %dma_wait3A_20] : memref<10240x128xf32, #tpu.memory_space<vmem_shared>> -> memref<10240x128xf32, #tpu.memory_space<vmem_shared>>
        tpu.wait_indirect_dma semaphore(%run_scoped3A : memref<!tpu.dma_semaphore, #tpu.memory_space<semaphore_mem>>) src(%arg8 : memref<128x128xf32, #tpu.memory_space<vmem>>) dst(%dma_wait3A_21 : memref<10240x128xf32, #tpu.memory_space<vmem_shared>>)
        tpu.yield
      }) : () -> ()
    }
    %scan3A_9 = arith.constant 40 : i32
    %barrier3A_10 = arith.constant 0 : index
    tpu.barrier barrier_id(%barrier3A_10)
    "tpu.region"() ({
      %run_scoped3A = tpu.sem_alloc : memref<!tpu.dma_semaphore, #tpu.memory_space<semaphore_mem>>
      %dma_start3A = arith.constant 0 : i32
      %dma_start3A_11 = tpu.memref_slice %arg5[%arg0, %mul3A_2, %dma_start3A] : memref<2x10240x128xf32, #tpu.memory_space<hbm>> -> memref<1x640x128xf32, #tpu.memory_space<hbm>>
      %dma_start3A_12 = tpu.memref_squeeze %dma_start3A_11 : memref<1x640x128xf32, #tpu.memory_space<hbm>> -> memref<640x128xf32, #tpu.memory_space<hbm>>
      %dma_start3A_13 = arith.constant 0 : i32
      %dma_start3A_14 = tpu.memref_slice %arg6[%mul3A_2, %dma_start3A_13] : memref<10240x128xf32, #tpu.memory_space<vmem_shared>> -> memref<640x128xf32, #tpu.memory_space<vmem_shared>>
      tpu.enqueue_dma source(%dma_start3A_14 : memref<640x128xf32, #tpu.memory_space<vmem_shared>>) target(%dma_start3A_12 : memref<640x128xf32, #tpu.memory_space<hbm>>) target_semaphore(%run_scoped3A : memref<!tpu.dma_semaphore, #tpu.memory_space<semaphore_mem>>)
      %dma_wait3A = arith.constant 0 : i32
      %dma_wait3A_15 = tpu.memref_slice %arg5[%arg0, %mul3A_2, %dma_wait3A] : memref<2x10240x128xf32, #tpu.memory_space<hbm>> -> memref<1x640x128xf32, #tpu.memory_space<hbm>>
      %dma_wait3A_16 = tpu.memref_squeeze %dma_wait3A_15 : memref<1x640x128xf32, #tpu.memory_space<hbm>> -> memref<640x128xf32, #tpu.memory_space<hbm>>
      %dma_wait3A_17 = arith.constant 0 : i32
      %dma_wait3A_18 = tpu.memref_slice %arg6[%mul3A_2, %dma_wait3A_17] : memref<10240x128xf32, #tpu.memory_space<vmem_shared>> -> memref<640x128xf32, #tpu.memory_space<vmem_shared>>
      tpu.wait_dma2 semaphore(%run_scoped3A : memref<!tpu.dma_semaphore, #tpu.memory_space<semaphore_mem>>) src(%dma_wait3A_18 : memref<640x128xf32, #tpu.memory_space<vmem_shared>>) dst(%dma_wait3A_16 : memref<640x128xf32, #tpu.memory_space<hbm>>)
      tpu.yield
    }) : () -> ()
    return
  }
}

#map = affine_map<(d0, d1) -> (0, 0)>
#map1 = affine_map<(d0, d1) -> (0, 0, 0)>
module attributes {stable_mosaic.version = 14 : i64} {
  func.func @_scatter_body(%arg0: i32, %arg1: i32, %arg2: memref<20480x128xf32, #tpu.memory_space<hbm>>, %arg3: memref<2x1280x128xi32, #tpu.memory_space<hbm>>, %arg4: memref<1280x128xi32, #tpu.memory_space<hbm>>, %arg5: memref<10240x128xf32, #tpu.memory_space<hbm>>, %arg6: memref<20480x128xf32, #tpu.memory_space<hbm>>, %arg7: memref<10240x128xf32, #tpu.memory_space<vmem_shared>>, %arg8: memref<40x128xi32, #tpu.memory_space<vmem>>, %arg9: memref<40x128xi32, #tpu.memory_space<vmem>>, %arg10: memref<128x128xf32, #tpu.memory_space<vmem>>, %arg11: memref<128x128xf32, #tpu.memory_space<vmem>>, %arg12: memref<!tpu.dma_semaphore, #tpu.memory_space<semaphore_mem>>, %arg13: memref<!tpu.dma_semaphore, #tpu.memory_space<semaphore_mem>>, %arg14: memref<!tpu.dma_semaphore, #tpu.memory_space<semaphore_mem>>, %arg15: memref<!tpu.dma_semaphore, #tpu.memory_space<semaphore_mem>>) attributes {dimension_semantics = [#tpu.dimension_semantics<core_parallel>, #tpu.dimension_semantics<subcore_parallel>], iteration_bounds = array<i64: 2, 16>, scalar_prefetch = 0 : i64, scratch_operands = 9 : i64, tpu.core_type = #tpu.core_type<sc_vector_subcore>, window_params = [{transform_indices = #map}, {transform_indices = #map1}, {transform_indices = #map}, {transform_indices = #map}, {transform_indices = #map}]} {
    %mul3A = arith.constant 640 : i32
    %mul3A_0 = arith.muli %arg1, %mul3A : i32
    "tpu.region"() ({
      %run_scoped3A = tpu.sem_alloc : memref<!tpu.dma_semaphore, #tpu.memory_space<semaphore_mem>>
      %dma_start3A = arith.constant 0 : i32
      %dma_start3A_11 = tpu.memref_slice %arg7[%mul3A_0, %dma_start3A] : memref<10240x128xf32, #tpu.memory_space<vmem_shared>> -> memref<640x128xf32, #tpu.memory_space<vmem_shared>>
      %dma_start3A_12 = arith.constant 0 : i32
      %dma_start3A_13 = tpu.memref_slice %arg5[%mul3A_0, %dma_start3A_12] : memref<10240x128xf32, #tpu.memory_space<hbm>> -> memref<640x128xf32, #tpu.memory_space<hbm>>
      tpu.enqueue_dma source(%dma_start3A_13 : memref<640x128xf32, #tpu.memory_space<hbm>>) target(%dma_start3A_11 : memref<640x128xf32, #tpu.memory_space<vmem_shared>>) target_semaphore(%run_scoped3A : memref<!tpu.dma_semaphore, #tpu.memory_space<semaphore_mem>>)
      %dma_wait3A = arith.constant 0 : i32
      %dma_wait3A_14 = tpu.memref_slice %arg7[%mul3A_0, %dma_wait3A] : memref<10240x128xf32, #tpu.memory_space<vmem_shared>> -> memref<640x128xf32, #tpu.memory_space<vmem_shared>>
      %dma_wait3A_15 = arith.constant 0 : i32
      %dma_wait3A_16 = tpu.memref_slice %arg5[%mul3A_0, %dma_wait3A_15] : memref<10240x128xf32, #tpu.memory_space<hbm>> -> memref<640x128xf32, #tpu.memory_space<hbm>>
      tpu.wait_dma2 semaphore(%run_scoped3A : memref<!tpu.dma_semaphore, #tpu.memory_space<semaphore_mem>>) src(%dma_wait3A_16 : memref<640x128xf32, #tpu.memory_space<hbm>>) dst(%dma_wait3A_14 : memref<640x128xf32, #tpu.memory_space<vmem_shared>>)
      tpu.yield
    }) : () -> ()
    %barrier3A = arith.constant 0 : index
    tpu.barrier barrier_id(%barrier3A)
    %scan3A = arith.constant 0 : i32
    %scan3A_1 = arith.constant 0 : i32
    %scan3A_2 = arith.constant 2 : i32
    %scan3A_3 = arith.addi %scan3A_1, %scan3A_2 : i32
    %scan3A_4 = arith.constant 1 : i32
    scf.for %scan3A_11 = %scan3A_1 to %scan3A_3 step %scan3A_4  : i32 {
      %mul3A_12 = arith.constant 80 : i32
      %mul3A_13 = arith.muli %arg1, %mul3A_12 : i32
      %mul3A_14 = arith.constant 40 : i32
      %mul3A_15 = arith.muli %scan3A_11, %mul3A_14 : i32
      %add3A_16 = arith.addi %mul3A_13, %mul3A_15 : i32
      "tpu.region"() ({
        %run_scoped3A = tpu.sem_alloc : memref<!tpu.dma_semaphore, #tpu.memory_space<semaphore_mem>>
        %dma_start3A_42 = arith.constant 0 : i32
        %dma_start3A_43 = tpu.memref_slice %arg3[%arg0, %add3A_16, %dma_start3A_42] : memref<2x1280x128xi32, #tpu.memory_space<hbm>> -> memref<1x40x128xi32, #tpu.memory_space<hbm>>
        %dma_start3A_44 = tpu.memref_squeeze %dma_start3A_43 : memref<1x40x128xi32, #tpu.memory_space<hbm>> -> memref<40x128xi32, #tpu.memory_space<hbm>>
        %dma_start3A_45 = arith.constant 0 : i32
        %dma_start3A_46 = tpu.memref_slice %arg3[%arg0, %add3A_16, %dma_start3A_45] : memref<2x1280x128xi32, #tpu.memory_space<hbm>> -> memref<1x40x128xi32, #tpu.memory_space<hbm>>
        %dma_start3A_47 = tpu.memref_squeeze %dma_start3A_46 : memref<1x40x128xi32, #tpu.memory_space<hbm>> -> memref<40x128xi32, #tpu.memory_space<hbm>>
        tpu.enqueue_dma source(%dma_start3A_47 : memref<40x128xi32, #tpu.memory_space<hbm>>) target(%arg8 : memref<40x128xi32, #tpu.memory_space<vmem>>) target_semaphore(%run_scoped3A : memref<!tpu.dma_semaphore, #tpu.memory_space<semaphore_mem>>)
        %dma_wait3A = arith.constant 0 : i32
        %dma_wait3A_48 = tpu.memref_slice %arg3[%arg0, %add3A_16, %dma_wait3A] : memref<2x1280x128xi32, #tpu.memory_space<hbm>> -> memref<1x40x128xi32, #tpu.memory_space<hbm>>
        %dma_wait3A_49 = tpu.memref_squeeze %dma_wait3A_48 : memref<1x40x128xi32, #tpu.memory_space<hbm>> -> memref<40x128xi32, #tpu.memory_space<hbm>>
        %dma_wait3A_50 = arith.constant 0 : i32
        %dma_wait3A_51 = tpu.memref_slice %arg3[%arg0, %add3A_16, %dma_wait3A_50] : memref<2x1280x128xi32, #tpu.memory_space<hbm>> -> memref<1x40x128xi32, #tpu.memory_space<hbm>>
        %dma_wait3A_52 = tpu.memref_squeeze %dma_wait3A_51 : memref<1x40x128xi32, #tpu.memory_space<hbm>> -> memref<40x128xi32, #tpu.memory_space<hbm>>
        tpu.wait_dma2 semaphore(%run_scoped3A : memref<!tpu.dma_semaphore, #tpu.memory_space<semaphore_mem>>) src(%dma_wait3A_52 : memref<40x128xi32, #tpu.memory_space<hbm>>) dst(%arg8 : memref<40x128xi32, #tpu.memory_space<vmem>>)
        tpu.yield
      }) : () -> ()
      "tpu.region"() ({
        %run_scoped3A = tpu.sem_alloc : memref<!tpu.dma_semaphore, #tpu.memory_space<semaphore_mem>>
        %dma_start3A_42 = arith.constant 0 : i32
        %dma_start3A_43 = tpu.memref_slice %arg4[%add3A_16, %dma_start3A_42] : memref<1280x128xi32, #tpu.memory_space<hbm>> -> memref<40x128xi32, #tpu.memory_space<hbm>>
        %dma_start3A_44 = arith.constant 0 : i32
        %dma_start3A_45 = tpu.memref_slice %arg4[%add3A_16, %dma_start3A_44] : memref<1280x128xi32, #tpu.memory_space<hbm>> -> memref<40x128xi32, #tpu.memory_space<hbm>>
        tpu.enqueue_dma source(%dma_start3A_45 : memref<40x128xi32, #tpu.memory_space<hbm>>) target(%arg9 : memref<40x128xi32, #tpu.memory_space<vmem>>) target_semaphore(%run_scoped3A : memref<!tpu.dma_semaphore, #tpu.memory_space<semaphore_mem>>)
        %dma_wait3A = arith.constant 0 : i32
        %dma_wait3A_46 = tpu.memref_slice %arg4[%add3A_16, %dma_wait3A] : memref<1280x128xi32, #tpu.memory_space<hbm>> -> memref<40x128xi32, #tpu.memory_space<hbm>>
        %dma_wait3A_47 = arith.constant 0 : i32
        %dma_wait3A_48 = tpu.memref_slice %arg4[%add3A_16, %dma_wait3A_47] : memref<1280x128xi32, #tpu.memory_space<hbm>> -> memref<40x128xi32, #tpu.memory_space<hbm>>
        tpu.wait_dma2 semaphore(%run_scoped3A : memref<!tpu.dma_semaphore, #tpu.memory_space<semaphore_mem>>) src(%dma_wait3A_48 : memref<40x128xi32, #tpu.memory_space<hbm>>) dst(%arg9 : memref<40x128xi32, #tpu.memory_space<vmem>>)
        tpu.yield
      }) : () -> ()
      %dma_start3A = arith.constant 0 : i32
      %dma_start3A_17 = arith.constant 0 : i32
      %dma_start3A_18 = arith.constant 0 : i32
      %dma_start3A_19 = tpu.memref_slice %arg10[%dma_start3A_17, %dma_start3A_18] : memref<128x128xf32, #tpu.memory_space<vmem>> -> memref<64x128xf32, #tpu.memory_space<vmem>>
      %dma_start3A_20 = arith.constant 0 : i32
      %dma_start3A_21 = tpu.memref_slice %arg8[%dma_start3A, %dma_start3A_20] : memref<40x128xi32, #tpu.memory_space<vmem>> -> memref<1x64xi32, #tpu.memory_space<vmem>>
      %dma_start3A_22 = tpu.memref_squeeze %dma_start3A_21 : memref<1x64xi32, #tpu.memory_space<vmem>> -> memref<64xi32, #tpu.memory_space<vmem>>
      %dma_start3A_23 = arith.constant 0 : i32
      %dma_start3A_24 = arith.constant 0 : i32
      %dma_start3A_25 = tpu.memref_slice %arg2[%dma_start3A_23, %dma_start3A_24] : memref<20480x128xf32, #tpu.memory_space<hbm>> -> memref<20480x128xf32, #tpu.memory_space<hbm>>
      tpu.enqueue_indirect_dma source(%dma_start3A_25 : memref<20480x128xf32, #tpu.memory_space<hbm>>) target(%dma_start3A_19 : memref<64x128xf32, #tpu.memory_space<vmem>>) offsets(%dma_start3A_22 : memref<64xi32, #tpu.memory_space<vmem>>) semaphore(%arg12 : memref<!tpu.dma_semaphore, #tpu.memory_space<semaphore_mem>>)
      %dma_start3A_26 = arith.constant 0 : i32
      %dma_start3A_27 = arith.constant 64 : i32
      %dma_start3A_28 = arith.constant 0 : i32
      %dma_start3A_29 = tpu.memref_slice %arg10[%dma_start3A_27, %dma_start3A_28] : memref<128x128xf32, #tpu.memory_space<vmem>> -> memref<64x128xf32, #tpu.memory_space<vmem>>
      %dma_start3A_30 = arith.constant 64 : i32
      %dma_start3A_31 = tpu.memref_slice %arg8[%dma_start3A_26, %dma_start3A_30] : memref<40x128xi32, #tpu.memory_space<vmem>> -> memref<1x64xi32, #tpu.memory_space<vmem>>
      %dma_start3A_32 = tpu.memref_squeeze %dma_start3A_31 : memref<1x64xi32, #tpu.memory_space<vmem>> -> memref<64xi32, #tpu.memory_space<vmem>>
      %dma_start3A_33 = arith.constant 0 : i32
      %dma_start3A_34 = arith.constant 0 : i32
      %dma_start3A_35 = tpu.memref_slice %arg2[%dma_start3A_33, %dma_start3A_34] : memref<20480x128xf32, #tpu.memory_space<hbm>> -> memref<20480x128xf32, #tpu.memory_space<hbm>>
      tpu.enqueue_indirect_dma source(%dma_start3A_35 : memref<20480x128xf32, #tpu.memory_space<hbm>>) target(%dma_start3A_29 : memref<64x128xf32, #tpu.memory_space<vmem>>) offsets(%dma_start3A_32 : memref<64xi32, #tpu.memory_space<vmem>>) semaphore(%arg14 : memref<!tpu.dma_semaphore, #tpu.memory_space<semaphore_mem>>)
      %scan3A_36 = arith.constant 0 : i32
      %scan3A_37 = arith.constant 0 : i32
      %scan3A_38 = arith.constant 20 : i32
      %scan3A_39 = arith.addi %scan3A_37, %scan3A_38 : i32
      %scan3A_40 = arith.constant 1 : i32
      scf.for %scan3A_42 = %scan3A_37 to %scan3A_39 step %scan3A_40  : i32 {
        %mul3A_43 = arith.constant 2 : i32
        %mul3A_44 = arith.muli %mul3A_43, %scan3A_42 : i32
        %mul3A_45 = arith.constant 2 : i32
        %mul3A_46 = arith.muli %mul3A_45, %scan3A_42 : i32
        %add3A_47 = arith.constant 1 : i32
        %add3A_48 = arith.addi %mul3A_46, %add3A_47 : i32
        %dma_start3A_49 = arith.constant 0 : i32
        %dma_start3A_50 = arith.constant 0 : i32
        %dma_start3A_51 = tpu.memref_slice %arg11[%dma_start3A_49, %dma_start3A_50] : memref<128x128xf32, #tpu.memory_space<vmem>> -> memref<64x128xf32, #tpu.memory_space<vmem>>
        %dma_start3A_52 = arith.constant 0 : i32
        %dma_start3A_53 = tpu.memref_slice %arg8[%add3A_48, %dma_start3A_52] : memref<40x128xi32, #tpu.memory_space<vmem>> -> memref<1x64xi32, #tpu.memory_space<vmem>>
        %dma_start3A_54 = tpu.memref_squeeze %dma_start3A_53 : memref<1x64xi32, #tpu.memory_space<vmem>> -> memref<64xi32, #tpu.memory_space<vmem>>
        %dma_start3A_55 = arith.constant 0 : i32
        %dma_start3A_56 = arith.constant 0 : i32
        %dma_start3A_57 = tpu.memref_slice %arg2[%dma_start3A_55, %dma_start3A_56] : memref<20480x128xf32, #tpu.memory_space<hbm>> -> memref<20480x128xf32, #tpu.memory_space<hbm>>
        tpu.enqueue_indirect_dma source(%dma_start3A_57 : memref<20480x128xf32, #tpu.memory_space<hbm>>) target(%dma_start3A_51 : memref<64x128xf32, #tpu.memory_space<vmem>>) offsets(%dma_start3A_54 : memref<64xi32, #tpu.memory_space<vmem>>) semaphore(%arg13 : memref<!tpu.dma_semaphore, #tpu.memory_space<semaphore_mem>>)
        %dma_start3A_58 = arith.constant 64 : i32
        %dma_start3A_59 = arith.constant 0 : i32
        %dma_start3A_60 = tpu.memref_slice %arg11[%dma_start3A_58, %dma_start3A_59] : memref<128x128xf32, #tpu.memory_space<vmem>> -> memref<64x128xf32, #tpu.memory_space<vmem>>
        %dma_start3A_61 = arith.constant 64 : i32
        %dma_start3A_62 = tpu.memref_slice %arg8[%add3A_48, %dma_start3A_61] : memref<40x128xi32, #tpu.memory_space<vmem>> -> memref<1x64xi32, #tpu.memory_space<vmem>>
        %dma_start3A_63 = tpu.memref_squeeze %dma_start3A_62 : memref<1x64xi32, #tpu.memory_space<vmem>> -> memref<64xi32, #tpu.memory_space<vmem>>
        %dma_start3A_64 = arith.constant 0 : i32
        %dma_start3A_65 = arith.constant 0 : i32
        %dma_start3A_66 = tpu.memref_slice %arg2[%dma_start3A_64, %dma_start3A_65] : memref<20480x128xf32, #tpu.memory_space<hbm>> -> memref<20480x128xf32, #tpu.memory_space<hbm>>
        tpu.enqueue_indirect_dma source(%dma_start3A_66 : memref<20480x128xf32, #tpu.memory_space<hbm>>) target(%dma_start3A_60 : memref<64x128xf32, #tpu.memory_space<vmem>>) offsets(%dma_start3A_63 : memref<64xi32, #tpu.memory_space<vmem>>) semaphore(%arg15 : memref<!tpu.dma_semaphore, #tpu.memory_space<semaphore_mem>>)
        %dma_wait3A = arith.constant 0 : i32
        %dma_wait3A_67 = arith.constant 0 : i32
        %dma_wait3A_68 = tpu.memref_slice %arg10[%dma_wait3A, %dma_wait3A_67] : memref<128x128xf32, #tpu.memory_space<vmem>> -> memref<64x128xf32, #tpu.memory_space<vmem>>
        %dma_wait3A_69 = arith.constant 0 : i32
        %dma_wait3A_70 = tpu.memref_slice %arg8[%mul3A_44, %dma_wait3A_69] : memref<40x128xi32, #tpu.memory_space<vmem>> -> memref<1x64xi32, #tpu.memory_space<vmem>>
        %dma_wait3A_71 = tpu.memref_squeeze %dma_wait3A_70 : memref<1x64xi32, #tpu.memory_space<vmem>> -> memref<64xi32, #tpu.memory_space<vmem>>
        %dma_wait3A_72 = arith.constant 0 : i32
        %dma_wait3A_73 = arith.constant 0 : i32
        %dma_wait3A_74 = tpu.memref_slice %arg2[%dma_wait3A_72, %dma_wait3A_73] : memref<20480x128xf32, #tpu.memory_space<hbm>> -> memref<20480x128xf32, #tpu.memory_space<hbm>>
        tpu.wait_indirect_dma semaphore(%arg12 : memref<!tpu.dma_semaphore, #tpu.memory_space<semaphore_mem>>) src(%dma_wait3A_74 : memref<20480x128xf32, #tpu.memory_space<hbm>>) dst(%dma_wait3A_68 : memref<64x128xf32, #tpu.memory_space<vmem>>)
        %dma_wait3A_75 = arith.constant 64 : i32
        %dma_wait3A_76 = arith.constant 0 : i32
        %dma_wait3A_77 = tpu.memref_slice %arg10[%dma_wait3A_75, %dma_wait3A_76] : memref<128x128xf32, #tpu.memory_space<vmem>> -> memref<64x128xf32, #tpu.memory_space<vmem>>
        %dma_wait3A_78 = arith.constant 64 : i32
        %dma_wait3A_79 = tpu.memref_slice %arg8[%mul3A_44, %dma_wait3A_78] : memref<40x128xi32, #tpu.memory_space<vmem>> -> memref<1x64xi32, #tpu.memory_space<vmem>>
        %dma_wait3A_80 = tpu.memref_squeeze %dma_wait3A_79 : memref<1x64xi32, #tpu.memory_space<vmem>> -> memref<64xi32, #tpu.memory_space<vmem>>
        %dma_wait3A_81 = arith.constant 0 : i32
        %dma_wait3A_82 = arith.constant 0 : i32
        %dma_wait3A_83 = tpu.memref_slice %arg2[%dma_wait3A_81, %dma_wait3A_82] : memref<20480x128xf32, #tpu.memory_space<hbm>> -> memref<20480x128xf32, #tpu.memory_space<hbm>>
        tpu.wait_indirect_dma semaphore(%arg14 : memref<!tpu.dma_semaphore, #tpu.memory_space<semaphore_mem>>) src(%dma_wait3A_83 : memref<20480x128xf32, #tpu.memory_space<hbm>>) dst(%dma_wait3A_77 : memref<64x128xf32, #tpu.memory_space<vmem>>)
        "tpu.region"() ({
          %run_scoped3A = tpu.sem_alloc : memref<!tpu.dma_semaphore, #tpu.memory_space<semaphore_mem>>
          %dma_start3A_104 = arith.constant 0 : i32
          %dma_start3A_105 = tpu.memref_slice %arg9[%mul3A_44, %dma_start3A_104] : memref<40x128xi32, #tpu.memory_space<vmem>> -> memref<1x128xi32, #tpu.memory_space<vmem>>
          %dma_start3A_106 = tpu.memref_squeeze %dma_start3A_105 : memref<1x128xi32, #tpu.memory_space<vmem>> -> memref<128xi32, #tpu.memory_space<vmem>>
          %dma_start3A_107 = arith.constant 0 : i32
          %dma_start3A_108 = arith.constant 0 : i32
          %dma_start3A_109 = tpu.memref_slice %arg7[%dma_start3A_107, %dma_start3A_108] : memref<10240x128xf32, #tpu.memory_space<vmem_shared>> -> memref<10240x128xf32, #tpu.memory_space<vmem_shared>>
          tpu.enqueue_indirect_dma source(%arg10 : memref<128x128xf32, #tpu.memory_space<vmem>>) target(%dma_start3A_109 : memref<10240x128xf32, #tpu.memory_space<vmem_shared>>) offsets(%dma_start3A_106 : memref<128xi32, #tpu.memory_space<vmem>>) semaphore(%run_scoped3A : memref<!tpu.dma_semaphore, #tpu.memory_space<semaphore_mem>>) {add = true}
          %dma_wait3A_110 = arith.constant 0 : i32
          %dma_wait3A_111 = tpu.memref_slice %arg9[%mul3A_44, %dma_wait3A_110] : memref<40x128xi32, #tpu.memory_space<vmem>> -> memref<1x128xi32, #tpu.memory_space<vmem>>
          %dma_wait3A_112 = tpu.memref_squeeze %dma_wait3A_111 : memref<1x128xi32, #tpu.memory_space<vmem>> -> memref<128xi32, #tpu.memory_space<vmem>>
          %dma_wait3A_113 = arith.constant 0 : i32
          %dma_wait3A_114 = arith.constant 0 : i32
          %dma_wait3A_115 = tpu.memref_slice %arg7[%dma_wait3A_113, %dma_wait3A_114] : memref<10240x128xf32, #tpu.memory_space<vmem_shared>> -> memref<10240x128xf32, #tpu.memory_space<vmem_shared>>
          tpu.wait_indirect_dma semaphore(%run_scoped3A : memref<!tpu.dma_semaphore, #tpu.memory_space<semaphore_mem>>) src(%arg10 : memref<128x128xf32, #tpu.memory_space<vmem>>) dst(%dma_wait3A_115 : memref<10240x128xf32, #tpu.memory_space<vmem_shared>>)
          tpu.yield
        }) : () -> ()
        %lt3A = arith.constant 19 : i32
        %lt3A_84 = arith.cmpi slt, %scan3A_42, %lt3A : i32
        %convert_element_type3A = arith.extui %lt3A_84 : i1 to i32
        %cond3A = arith.constant 0 : i32
        %cond3A_85 = arith.cmpi ne, %convert_element_type3A, %cond3A : i32
        scf.if %cond3A_85 {
          %add3A_104 = arith.constant 2 : i32
          %add3A_105 = arith.addi %mul3A_44, %add3A_104 : i32
          %dma_start3A_106 = arith.constant 0 : i32
          %dma_start3A_107 = arith.constant 0 : i32
          %dma_start3A_108 = tpu.memref_slice %arg10[%dma_start3A_106, %dma_start3A_107] : memref<128x128xf32, #tpu.memory_space<vmem>> -> memref<64x128xf32, #tpu.memory_space<vmem>>
          %dma_start3A_109 = arith.constant 0 : i32
          %dma_start3A_110 = tpu.memref_slice %arg8[%add3A_105, %dma_start3A_109] : memref<40x128xi32, #tpu.memory_space<vmem>> -> memref<1x64xi32, #tpu.memory_space<vmem>>
          %dma_start3A_111 = tpu.memref_squeeze %dma_start3A_110 : memref<1x64xi32, #tpu.memory_space<vmem>> -> memref<64xi32, #tpu.memory_space<vmem>>
          %dma_start3A_112 = arith.constant 0 : i32
          %dma_start3A_113 = arith.constant 0 : i32
          %dma_start3A_114 = tpu.memref_slice %arg2[%dma_start3A_112, %dma_start3A_113] : memref<20480x128xf32, #tpu.memory_space<hbm>> -> memref<20480x128xf32, #tpu.memory_space<hbm>>
          tpu.enqueue_indirect_dma source(%dma_start3A_114 : memref<20480x128xf32, #tpu.memory_space<hbm>>) target(%dma_start3A_108 : memref<64x128xf32, #tpu.memory_space<vmem>>) offsets(%dma_start3A_111 : memref<64xi32, #tpu.memory_space<vmem>>) semaphore(%arg12 : memref<!tpu.dma_semaphore, #tpu.memory_space<semaphore_mem>>)
          %dma_start3A_115 = arith.constant 64 : i32
          %dma_start3A_116 = arith.constant 0 : i32
          %dma_start3A_117 = tpu.memref_slice %arg10[%dma_start3A_115, %dma_start3A_116] : memref<128x128xf32, #tpu.memory_space<vmem>> -> memref<64x128xf32, #tpu.memory_space<vmem>>
          %dma_start3A_118 = arith.constant 64 : i32
          %dma_start3A_119 = tpu.memref_slice %arg8[%add3A_105, %dma_start3A_118] : memref<40x128xi32, #tpu.memory_space<vmem>> -> memref<1x64xi32, #tpu.memory_space<vmem>>
          %dma_start3A_120 = tpu.memref_squeeze %dma_start3A_119 : memref<1x64xi32, #tpu.memory_space<vmem>> -> memref<64xi32, #tpu.memory_space<vmem>>
          %dma_start3A_121 = arith.constant 0 : i32
          %dma_start3A_122 = arith.constant 0 : i32
          %dma_start3A_123 = tpu.memref_slice %arg2[%dma_start3A_121, %dma_start3A_122] : memref<20480x128xf32, #tpu.memory_space<hbm>> -> memref<20480x128xf32, #tpu.memory_space<hbm>>
          tpu.enqueue_indirect_dma source(%dma_start3A_123 : memref<20480x128xf32, #tpu.memory_space<hbm>>) target(%dma_start3A_117 : memref<64x128xf32, #tpu.memory_space<vmem>>) offsets(%dma_start3A_120 : memref<64xi32, #tpu.memory_space<vmem>>) semaphore(%arg14 : memref<!tpu.dma_semaphore, #tpu.memory_space<semaphore_mem>>)
        } else {
        }
        %dma_wait3A_86 = arith.constant 0 : i32
        %dma_wait3A_87 = arith.constant 0 : i32
        %dma_wait3A_88 = tpu.memref_slice %arg11[%dma_wait3A_86, %dma_wait3A_87] : memref<128x128xf32, #tpu.memory_space<vmem>> -> memref<64x128xf32, #tpu.memory_space<vmem>>
        %dma_wait3A_89 = arith.constant 0 : i32
        %dma_wait3A_90 = tpu.memref_slice %arg8[%add3A_48, %dma_wait3A_89] : memref<40x128xi32, #tpu.memory_space<vmem>> -> memref<1x64xi32, #tpu.memory_space<vmem>>
        %dma_wait3A_91 = tpu.memref_squeeze %dma_wait3A_90 : memref<1x64xi32, #tpu.memory_space<vmem>> -> memref<64xi32, #tpu.memory_space<vmem>>
        %dma_wait3A_92 = arith.constant 0 : i32
        %dma_wait3A_93 = arith.constant 0 : i32
        %dma_wait3A_94 = tpu.memref_slice %arg2[%dma_wait3A_92, %dma_wait3A_93] : memref<20480x128xf32, #tpu.memory_space<hbm>> -> memref<20480x128xf32, #tpu.memory_space<hbm>>
        tpu.wait_indirect_dma semaphore(%arg13 : memref<!tpu.dma_semaphore, #tpu.memory_space<semaphore_mem>>) src(%dma_wait3A_94 : memref<20480x128xf32, #tpu.memory_space<hbm>>) dst(%dma_wait3A_88 : memref<64x128xf32, #tpu.memory_space<vmem>>)
        %dma_wait3A_95 = arith.constant 64 : i32
        %dma_wait3A_96 = arith.constant 0 : i32
        %dma_wait3A_97 = tpu.memref_slice %arg11[%dma_wait3A_95, %dma_wait3A_96] : memref<128x128xf32, #tpu.memory_space<vmem>> -> memref<64x128xf32, #tpu.memory_space<vmem>>
        %dma_wait3A_98 = arith.constant 64 : i32
        %dma_wait3A_99 = tpu.memref_slice %arg8[%add3A_48, %dma_wait3A_98] : memref<40x128xi32, #tpu.memory_space<vmem>> -> memref<1x64xi32, #tpu.memory_space<vmem>>
        %dma_wait3A_100 = tpu.memref_squeeze %dma_wait3A_99 : memref<1x64xi32, #tpu.memory_space<vmem>> -> memref<64xi32, #tpu.memory_space<vmem>>
        %dma_wait3A_101 = arith.constant 0 : i32
        %dma_wait3A_102 = arith.constant 0 : i32
        %dma_wait3A_103 = tpu.memref_slice %arg2[%dma_wait3A_101, %dma_wait3A_102] : memref<20480x128xf32, #tpu.memory_space<hbm>> -> memref<20480x128xf32, #tpu.memory_space<hbm>>
        tpu.wait_indirect_dma semaphore(%arg15 : memref<!tpu.dma_semaphore, #tpu.memory_space<semaphore_mem>>) src(%dma_wait3A_103 : memref<20480x128xf32, #tpu.memory_space<hbm>>) dst(%dma_wait3A_97 : memref<64x128xf32, #tpu.memory_space<vmem>>)
        "tpu.region"() ({
          %run_scoped3A = tpu.sem_alloc : memref<!tpu.dma_semaphore, #tpu.memory_space<semaphore_mem>>
          %dma_start3A_104 = arith.constant 0 : i32
          %dma_start3A_105 = tpu.memref_slice %arg9[%add3A_48, %dma_start3A_104] : memref<40x128xi32, #tpu.memory_space<vmem>> -> memref<1x128xi32, #tpu.memory_space<vmem>>
          %dma_start3A_106 = tpu.memref_squeeze %dma_start3A_105 : memref<1x128xi32, #tpu.memory_space<vmem>> -> memref<128xi32, #tpu.memory_space<vmem>>
          %dma_start3A_107 = arith.constant 0 : i32
          %dma_start3A_108 = arith.constant 0 : i32
          %dma_start3A_109 = tpu.memref_slice %arg7[%dma_start3A_107, %dma_start3A_108] : memref<10240x128xf32, #tpu.memory_space<vmem_shared>> -> memref<10240x128xf32, #tpu.memory_space<vmem_shared>>
          tpu.enqueue_indirect_dma source(%arg11 : memref<128x128xf32, #tpu.memory_space<vmem>>) target(%dma_start3A_109 : memref<10240x128xf32, #tpu.memory_space<vmem_shared>>) offsets(%dma_start3A_106 : memref<128xi32, #tpu.memory_space<vmem>>) semaphore(%run_scoped3A : memref<!tpu.dma_semaphore, #tpu.memory_space<semaphore_mem>>) {add = true}
          %dma_wait3A_110 = arith.constant 0 : i32
          %dma_wait3A_111 = tpu.memref_slice %arg9[%add3A_48, %dma_wait3A_110] : memref<40x128xi32, #tpu.memory_space<vmem>> -> memref<1x128xi32, #tpu.memory_space<vmem>>
          %dma_wait3A_112 = tpu.memref_squeeze %dma_wait3A_111 : memref<1x128xi32, #tpu.memory_space<vmem>> -> memref<128xi32, #tpu.memory_space<vmem>>
          %dma_wait3A_113 = arith.constant 0 : i32
          %dma_wait3A_114 = arith.constant 0 : i32
          %dma_wait3A_115 = tpu.memref_slice %arg7[%dma_wait3A_113, %dma_wait3A_114] : memref<10240x128xf32, #tpu.memory_space<vmem_shared>> -> memref<10240x128xf32, #tpu.memory_space<vmem_shared>>
          tpu.wait_indirect_dma semaphore(%run_scoped3A : memref<!tpu.dma_semaphore, #tpu.memory_space<semaphore_mem>>) src(%arg11 : memref<128x128xf32, #tpu.memory_space<vmem>>) dst(%dma_wait3A_115 : memref<10240x128xf32, #tpu.memory_space<vmem_shared>>)
          tpu.yield
        }) : () -> ()
      }
      %scan3A_41 = arith.constant 20 : i32
    }
    %scan3A_5 = arith.constant 2 : i32
    %barrier3A_6 = arith.constant 0 : index
    tpu.barrier barrier_id(%barrier3A_6)
    %mul3A_7 = arith.constant 10240 : i32
    %mul3A_8 = arith.muli %arg0, %mul3A_7 : i32
    %mul3A_9 = arith.constant 640 : i32
    %mul3A_10 = arith.muli %arg1, %mul3A_9 : i32
    %add3A = arith.addi %mul3A_8, %mul3A_10 : i32
    "tpu.region"() ({
      %run_scoped3A = tpu.sem_alloc : memref<!tpu.dma_semaphore, #tpu.memory_space<semaphore_mem>>
      %dma_start3A = arith.constant 0 : i32
      %dma_start3A_11 = tpu.memref_slice %arg6[%add3A, %dma_start3A] : memref<20480x128xf32, #tpu.memory_space<hbm>> -> memref<640x128xf32, #tpu.memory_space<hbm>>
      %dma_start3A_12 = arith.constant 0 : i32
      %dma_start3A_13 = tpu.memref_slice %arg7[%mul3A_0, %dma_start3A_12] : memref<10240x128xf32, #tpu.memory_space<vmem_shared>> -> memref<640x128xf32, #tpu.memory_space<vmem_shared>>
      tpu.enqueue_dma source(%dma_start3A_13 : memref<640x128xf32, #tpu.memory_space<vmem_shared>>) target(%dma_start3A_11 : memref<640x128xf32, #tpu.memory_space<hbm>>) target_semaphore(%run_scoped3A : memref<!tpu.dma_semaphore, #tpu.memory_space<semaphore_mem>>)
      %dma_wait3A = arith.constant 0 : i32
      %dma_wait3A_14 = tpu.memref_slice %arg6[%add3A, %dma_wait3A] : memref<20480x128xf32, #tpu.memory_space<hbm>> -> memref<640x128xf32, #tpu.memory_space<hbm>>
      %dma_wait3A_15 = arith.constant 0 : i32
      %dma_wait3A_16 = tpu.memref_slice %arg7[%mul3A_0, %dma_wait3A_15] : memref<10240x128xf32, #tpu.memory_space<vmem_shared>> -> memref<640x128xf32, #tpu.memory_space<vmem_shared>>
      tpu.wait_dma2 semaphore(%run_scoped3A : memref<!tpu.dma_semaphore, #tpu.memory_space<semaphore_mem>>) src(%dma_wait3A_16 : memref<640x128xf32, #tpu.memory_space<vmem_shared>>) dst(%dma_wait3A_14 : memref<640x128xf32, #tpu.memory_space<hbm>>)
      tpu.yield
    }) : () -> ()
    return
  }
}

module attributes {stable_mosaic.version = 14 : i64} {
  func.func @_matmul_scale_body(%arg0: i32, %arg1: memref<2048x256xf32, #tpu.memory_space<vmem>>, %arg2: memref<256x256xf32, #tpu.memory_space<vmem>>, %arg3: memref<2x2048x128xf32, #tpu.memory_space<vmem>>, %arg4: memref<2x2048x128xf32, #tpu.memory_space<vmem>>, %arg5: memref<2048x1xf32, #tpu.memory_space<vmem>>) attributes {dimension_semantics = [#tpu.dimension_semantics<arbitrary>], iteration_bounds = array<i64: 5>, scalar_prefetch = 0 : i64, scratch_operands = 0 : i64, tpu.core_type = #tpu.core_type<tc>, window_params = [{transform_indices = @transform_0, window_bounds = array<i64: 2048, 256>}, {pipeline_mode = #tpu.pipeline_mode<synchronous>, transform_indices = @transform_1, window_bounds = array<i64: 256, 256>}, {transform_indices = @transform_2, window_bounds = array<i64: 2, 2048, 128>}, {transform_indices = @transform_3, window_bounds = array<i64: 2, 2048, 128>}, {transform_indices = @transform_4, window_bounds = array<i64: 2048, 1>}]} {
    %get3A = arith.constant 0 : index
    %get3A_0 = arith.constant 0 : index
    %get3A_1 = vector.load %arg1[%get3A, %get3A_0] : memref<2048x256xf32, #tpu.memory_space<vmem>>, vector<2048x256xf32>
    %get3A_2 = arith.constant 0 : index
    %get3A_3 = arith.constant 0 : index
    %get3A_4 = vector.load %arg2[%get3A_2, %get3A_3] : memref<256x256xf32, #tpu.memory_space<vmem>>, vector<256x256xf32>
    %dot_general3A = arith.constant dense<0.000000e+00> : vector<2048x256xf32>
    %dot_general3A_5 = tpu.matmul %get3A_1, %get3A_4, %dot_general3A {dimension_numbers = #tpu.dot_dimension_numbers<[1], [0], [0], [1], [0, 0, 1, 1], [], []>, transpose_lhs_hint = false} : vector<2048x256xf32>, vector<256x256xf32>, vector<2048x256xf32> -> vector<2048x256xf32>
    %get3A_6 = arith.constant 0 : index
    %get3A_7 = arith.constant 0 : index
    %get3A_8 = arith.constant 0 : index
    %get3A_9 = vector.load %arg3[%get3A_6, %get3A_7, %get3A_8] : memref<2x2048x128xf32, #tpu.memory_space<vmem>>, vector<2x2048x128xf32>
    %reduce_sum3A = arith.constant dense<0.000000e+00> : vector<2048xf32>
    %reduce_sum3A_10 = vector.multi_reduction <add>, %get3A_9, %reduce_sum3A [0, 2] : vector<2x2048x128xf32> to vector<2048xf32>
    %add3A = arith.constant 1.000000e+00 : f32
    %add3A_11 = vector.broadcast %add3A : f32 to vector<2048xf32>
    %add3A_12 = arith.addf %add3A_11, %reduce_sum3A_10 : vector<2048xf32>
    %rsqrt3A = math.rsqrt %add3A_12 : vector<2048xf32>
    %broadcast_in_dim3A = vector.shape_cast %rsqrt3A : vector<2048xf32> to vector<2048x1xf32>
    %iota3A = tpu.iota {dimensions = array<i32: 0>} : vector<2048x1xi32>
    %mul3A = arith.constant 2048 : i32
    %mul3A_13 = arith.muli %arg0, %mul3A : i32
    %add3A_14 = vector.broadcast %mul3A_13 : i32 to vector<2048x1xi32>
    %add3A_15 = arith.addi %iota3A, %add3A_14 : vector<2048x1xi32>
    %lt3A = arith.constant 10000 : i32
    %lt3A_16 = vector.broadcast %lt3A : i32 to vector<2048x1xi32>
    %lt3A_17 = arith.cmpi slt, %add3A_15, %lt3A_16 : vector<2048x1xi32>
    %jit3A = arith.constant 0.000000e+00 : f32
    %broadcast_in_dim3A_18 = vector.broadcast %jit3A : f32 to vector<2048x1xf32>
    %select_n3A = arith.select %lt3A_17, %broadcast_in_dim3A, %broadcast_in_dim3A_18 : vector<2048x1xi1>, vector<2048x1xf32>
    %slice3A = vector.extract_strided_slice %dot_general3A_5 {offsets = [0, 0], sizes = [2048, 128], strides = [1, 1]} : vector<2048x256xf32> to vector<2048x128xf32>
    %mul3A_19 = vector.broadcast %select_n3A : vector<2048x1xf32> to vector<2048x128xf32>
    %mul3A_20 = arith.mulf %slice3A, %mul3A_19 : vector<2048x128xf32>
    %swap3A = arith.constant 0 : index
    %swap3A_21 = arith.constant 0 : index
    %swap3A_22 = arith.constant 0 : index
    %swap3A_23 = vector.load %arg4[%swap3A, %swap3A_21, %swap3A_22] : memref<2x2048x128xf32, #tpu.memory_space<vmem>>, vector<1x2048x128xf32>
    %swap3A_24 = vector.shape_cast %swap3A_23 : vector<1x2048x128xf32> to vector<2048x128xf32>
    %swap3A_25 = vector.shape_cast %mul3A_20 : vector<2048x128xf32> to vector<1x2048x128xf32>
    tpu.vector_store %arg4[%swap3A, %swap3A_21, %swap3A_22], %swap3A_25 {strides = array<i32>} : memref<2x2048x128xf32, #tpu.memory_space<vmem>>, vector<1x2048x128xf32>,
    %slice3A_26 = vector.extract_strided_slice %dot_general3A_5 {offsets = [0, 128], sizes = [2048, 128], strides = [1, 1]} : vector<2048x256xf32> to vector<2048x128xf32>
    %mul3A_27 = vector.broadcast %select_n3A : vector<2048x1xf32> to vector<2048x128xf32>
    %mul3A_28 = arith.mulf %slice3A_26, %mul3A_27 : vector<2048x128xf32>
    %swap3A_29 = arith.constant 1 : index
    %swap3A_30 = arith.constant 0 : index
    %swap3A_31 = arith.constant 0 : index
    %swap3A_32 = vector.load %arg4[%swap3A_29, %swap3A_30, %swap3A_31] : memref<2x2048x128xf32, #tpu.memory_space<vmem>>, vector<1x2048x128xf32>
    %swap3A_33 = vector.shape_cast %swap3A_32 : vector<1x2048x128xf32> to vector<2048x128xf32>
    %swap3A_34 = vector.shape_cast %mul3A_28 : vector<2048x128xf32> to vector<1x2048x128xf32>
    tpu.vector_store %arg4[%swap3A_29, %swap3A_30, %swap3A_31], %swap3A_34 {strides = array<i32>} : memref<2x2048x128xf32, #tpu.memory_space<vmem>>, vector<1x2048x128xf32>,
    %swap3A_35 = arith.constant 0 : index
    %swap3A_36 = arith.constant 0 : index
    %swap3A_37 = vector.load %arg5[%swap3A_35, %swap3A_36] : memref<2048x1xf32, #tpu.memory_space<vmem>>, vector<2048x1xf32>
    tpu.vector_store %arg5[%swap3A_35, %swap3A_36], %broadcast_in_dim3A {strides = array<i32>} : memref<2048x1xf32, #tpu.memory_space<vmem>>, vector<2048x1xf32>,
    return
  }
  func.func @transform_0(%arg0: i32) -> (i32, i32) {
    %c0_i32 = arith.constant 0 : i32
    %c0_i32_0 = arith.constant 0 : i32
    return %arg0, %c0_i32 : i32, i32
  }
  func.func @transform_1(%arg0: i32) -> (i32, i32) {
    %c0_i32 = arith.constant 0 : i32
    %c0_i32_0 = arith.constant 0 : i32
    %c0_i32_1 = arith.constant 0 : i32
    return %c0_i32, %c0_i32_0 : i32, i32
  }
  func.func @transform_2(%arg0: i32) -> (i32, i32, i32) {
    %c0_i32 = arith.constant 0 : i32
    %c0_i32_0 = arith.constant 0 : i32
    %c0_i32_1 = arith.constant 0 : i32
    return %c0_i32, %arg0, %c0_i32_0 : i32, i32, i32
  }
  func.func @transform_3(%arg0: i32) -> (i32, i32, i32) {
    %c0_i32 = arith.constant 0 : i32
    %c0_i32_0 = arith.constant 0 : i32
    %c0_i32_1 = arith.constant 0 : i32
    return %c0_i32, %arg0, %c0_i32_0 : i32, i32, i32
  }
  func.func @transform_4(%arg0: i32) -> (i32, i32) {
    %c0_i32 = arith.constant 0 : i32
    %c0_i32_0 = arith.constant 0 : i32
    return %arg0, %c0_i32 : i32, i32
  }
}

module attributes {stable_mosaic.version = 14 : i64} {
  func.func @_final_body(%arg0: i32, %arg1: memref<2048x256xf32, #tpu.memory_space<vmem>>, %arg2: memref<2048x128xf32, #tpu.memory_space<vmem>>, %arg3: memref<2048x128xf32, #tpu.memory_space<vmem>>, %arg4: memref<2048x128xf32, #tpu.memory_space<vmem>>, %arg5: memref<2048x128xf32, #tpu.memory_space<vmem>>, %arg6: memref<2048x1xf32, #tpu.memory_space<vmem>>, %arg7: memref<8x128xf32, #tpu.memory_space<vmem>>, %arg8: memref<256x128xf32, #tpu.memory_space<vmem>>, %arg9: memref<128x128xf32, #tpu.memory_space<vmem>>, %arg10: memref<128x128xf32, #tpu.memory_space<vmem>>, %arg11: memref<2048x1xf32, #tpu.memory_space<vmem>>) attributes {dimension_semantics = [#tpu.dimension_semantics<arbitrary>], iteration_bounds = array<i64: 5>, scalar_prefetch = 0 : i64, scratch_operands = 0 : i64, tpu.core_type = #tpu.core_type<tc>, window_params = [{transform_indices = @transform_0, window_bounds = array<i64: 2048, 256>}, {transform_indices = @transform_1, window_bounds = array<i64: 2048, 128>}, {transform_indices = @transform_2, window_bounds = array<i64: 2048, 128>}, {transform_indices = @transform_3, window_bounds = array<i64: 2048, 128>}, {transform_indices = @transform_4, window_bounds = array<i64: 2048, 128>}, {transform_indices = @transform_5, window_bounds = array<i64: 2048, 1>}, {pipeline_mode = #tpu.pipeline_mode<synchronous>, transform_indices = @transform_6, window_bounds = array<i64: 8, 128>}, {pipeline_mode = #tpu.pipeline_mode<synchronous>, transform_indices = @transform_7, window_bounds = array<i64: 256, 128>}, {pipeline_mode = #tpu.pipeline_mode<synchronous>, transform_indices = @transform_8, window_bounds = array<i64: 128, 128>}, {pipeline_mode = #tpu.pipeline_mode<synchronous>, transform_indices = @transform_9, window_bounds = array<i64: 128, 128>}, {transform_indices = @transform_10, window_bounds = array<i64: 2048, 1>}]} {
    %get3A = arith.constant 0 : index
    %get3A_0 = arith.constant 0 : index
    %get3A_1 = vector.load %arg6[%get3A, %get3A_0] : memref<2048x1xf32, #tpu.memory_space<vmem>>, vector<2048x1xf32>
    %get3A_2 = arith.constant 0 : index
    %get3A_3 = arith.constant 0 : index
    %get3A_4 = vector.load %arg7[%get3A_2, %get3A_3] : memref<8x128xf32, #tpu.memory_space<vmem>>, vector<8x128xf32>
    %get3A_5 = arith.constant 0 : index
    %get3A_6 = arith.constant 0 : index
    %get3A_7 = vector.load %arg1[%get3A_5, %get3A_6] : memref<2048x256xf32, #tpu.memory_space<vmem>>, vector<2048x256xf32>
    %get3A_8 = arith.constant 0 : index
    %get3A_9 = arith.constant 0 : index
    %get3A_10 = vector.load %arg2[%get3A_8, %get3A_9] : memref<2048x128xf32, #tpu.memory_space<vmem>>, vector<2048x128xf32>
    %get3A_11 = arith.constant 0 : index
    %get3A_12 = arith.constant 0 : index
    %get3A_13 = vector.load %arg4[%get3A_11, %get3A_12] : memref<2048x128xf32, #tpu.memory_space<vmem>>, vector<2048x128xf32>
    %add3A = arith.addf %get3A_10, %get3A_13 : vector<2048x128xf32>
    %mul3A = vector.broadcast %get3A_1 : vector<2048x1xf32> to vector<2048x128xf32>
    %mul3A_14 = arith.mulf %mul3A, %add3A : vector<2048x128xf32>
    %slice3A = vector.extract_strided_slice %get3A_4 {offsets = [0, 0], sizes = [1, 128], strides = [1, 1]} : vector<8x128xf32> to vector<1x128xf32>
    %add3A_15 = vector.broadcast %slice3A : vector<1x128xf32> to vector<2048x128xf32>
    %add3A_16 = arith.addf %mul3A_14, %add3A_15 : vector<2048x128xf32>
    %max3A = arith.constant 0.000000e+00 : f32
    %max3A_17 = vector.broadcast %max3A : f32 to vector<2048x128xf32>
    %max3A_18 = arith.maximumf %add3A_16, %max3A_17 : vector<2048x128xf32>
    %slice3A_19 = vector.extract_strided_slice %get3A_7 {offsets = [0, 0], sizes = [2048, 128], strides = [1, 1]} : vector<2048x256xf32> to vector<2048x128xf32>
    %add3A_20 = arith.addf %max3A_18, %slice3A_19 : vector<2048x128xf32>
    %get3A_21 = arith.constant 0 : index
    %get3A_22 = arith.constant 0 : index
    %get3A_23 = vector.load %arg3[%get3A_21, %get3A_22] : memref<2048x128xf32, #tpu.memory_space<vmem>>, vector<2048x128xf32>
    %get3A_24 = arith.constant 0 : index
    %get3A_25 = arith.constant 0 : index
    %get3A_26 = vector.load %arg5[%get3A_24, %get3A_25] : memref<2048x128xf32, #tpu.memory_space<vmem>>, vector<2048x128xf32>
    %add3A_27 = arith.addf %get3A_23, %get3A_26 : vector<2048x128xf32>
    %mul3A_28 = vector.broadcast %get3A_1 : vector<2048x1xf32> to vector<2048x128xf32>
    %mul3A_29 = arith.mulf %mul3A_28, %add3A_27 : vector<2048x128xf32>
    %slice3A_30 = vector.extract_strided_slice %get3A_4 {offsets = [1, 0], sizes = [1, 128], strides = [1, 1]} : vector<8x128xf32> to vector<1x128xf32>
    %add3A_31 = vector.broadcast %slice3A_30 : vector<1x128xf32> to vector<2048x128xf32>
    %add3A_32 = arith.addf %mul3A_29, %add3A_31 : vector<2048x128xf32>
    %max3A_33 = arith.constant 0.000000e+00 : f32
    %max3A_34 = vector.broadcast %max3A_33 : f32 to vector<2048x128xf32>
    %max3A_35 = arith.maximumf %add3A_32, %max3A_34 : vector<2048x128xf32>
    %slice3A_36 = vector.extract_strided_slice %get3A_7 {offsets = [0, 128], sizes = [2048, 128], strides = [1, 1]} : vector<2048x256xf32> to vector<2048x128xf32>
    %add3A_37 = arith.addf %max3A_35, %slice3A_36 : vector<2048x128xf32>
    %get3A_38 = arith.constant 0 : index
    %get3A_39 = arith.constant 0 : index
    %get3A_40 = vector.load %arg8[%get3A_38, %get3A_39] : memref<256x128xf32, #tpu.memory_space<vmem>>, vector<256x128xf32>
    %slice3A_41 = vector.extract_strided_slice %get3A_40 {offsets = [0, 0], sizes = [128, 128], strides = [1, 1]} : vector<256x128xf32> to vector<128x128xf32>
    %dot_general3A = arith.constant dense<0.000000e+00> : vector<2048x128xf32>
    %dot_general3A_42 = tpu.matmul %add3A_20, %slice3A_41, %dot_general3A {dimension_numbers = #tpu.dot_dimension_numbers<[1], [0], [0], [1], [0, 0, 1, 1], [], []>, transpose_lhs_hint = false} : vector<2048x128xf32>, vector<128x128xf32>, vector<2048x128xf32> -> vector<2048x128xf32>
    %slice3A_43 = vector.extract_strided_slice %get3A_40 {offsets = [128, 0], sizes = [128, 128], strides = [1, 1]} : vector<256x128xf32> to vector<128x128xf32>
    %dot_general3A_44 = arith.constant dense<0.000000e+00> : vector<2048x128xf32>
    %dot_general3A_45 = tpu.matmul %add3A_37, %slice3A_43, %dot_general3A_44 {dimension_numbers = #tpu.dot_dimension_numbers<[1], [0], [0], [1], [0, 0, 1, 1], [], []>, transpose_lhs_hint = false} : vector<2048x128xf32>, vector<128x128xf32>, vector<2048x128xf32> -> vector<2048x128xf32>
    %add3A_46 = arith.addf %dot_general3A_42, %dot_general3A_45 : vector<2048x128xf32>
    %slice3A_47 = vector.extract_strided_slice %get3A_4 {offsets = [2, 0], sizes = [1, 128], strides = [1, 1]} : vector<8x128xf32> to vector<1x128xf32>
    %add3A_48 = vector.broadcast %slice3A_47 : vector<1x128xf32> to vector<2048x128xf32>
    %add3A_49 = arith.addf %add3A_46, %add3A_48 : vector<2048x128xf32>
    %max3A_50 = arith.constant 0.000000e+00 : f32
    %max3A_51 = vector.broadcast %max3A_50 : f32 to vector<2048x128xf32>
    %max3A_52 = arith.maximumf %add3A_49, %max3A_51 : vector<2048x128xf32>
    %get3A_53 = arith.constant 0 : index
    %get3A_54 = arith.constant 0 : index
    %get3A_55 = vector.load %arg9[%get3A_53, %get3A_54] : memref<128x128xf32, #tpu.memory_space<vmem>>, vector<128x128xf32>
    %dot_general3A_56 = arith.constant dense<0.000000e+00> : vector<2048x128xf32>
    %dot_general3A_57 = tpu.matmul %max3A_52, %get3A_55, %dot_general3A_56 {dimension_numbers = #tpu.dot_dimension_numbers<[1], [0], [0], [1], [0, 0, 1, 1], [], []>, transpose_lhs_hint = false} : vector<2048x128xf32>, vector<128x128xf32>, vector<2048x128xf32> -> vector<2048x128xf32>
    %slice3A_58 = vector.extract_strided_slice %get3A_4 {offsets = [3, 0], sizes = [1, 128], strides = [1, 1]} : vector<8x128xf32> to vector<1x128xf32>
    %add3A_59 = vector.broadcast %slice3A_58 : vector<1x128xf32> to vector<2048x128xf32>
    %add3A_60 = arith.addf %dot_general3A_57, %add3A_59 : vector<2048x128xf32>
    %max3A_61 = arith.constant 0.000000e+00 : f32
    %max3A_62 = vector.broadcast %max3A_61 : f32 to vector<2048x128xf32>
    %max3A_63 = arith.maximumf %add3A_60, %max3A_62 : vector<2048x128xf32>
    %get3A_64 = arith.constant 0 : index
    %get3A_65 = arith.constant 0 : index
    %get3A_66 = vector.load %arg10[%get3A_64, %get3A_65] : memref<128x128xf32, #tpu.memory_space<vmem>>, vector<128x128xf32>
    %dot_general3A_67 = arith.constant dense<0.000000e+00> : vector<2048x128xf32>
    %dot_general3A_68 = tpu.matmul %max3A_63, %get3A_66, %dot_general3A_67 {dimension_numbers = #tpu.dot_dimension_numbers<[1], [0], [0], [1], [0, 0, 1, 1], [], []>, transpose_lhs_hint = false} : vector<2048x128xf32>, vector<128x128xf32>, vector<2048x128xf32> -> vector<2048x128xf32>
    %slice3A_69 = vector.extract_strided_slice %get3A_4 {offsets = [4, 0], sizes = [1, 128], strides = [1, 1]} : vector<8x128xf32> to vector<1x128xf32>
    %add3A_70 = vector.broadcast %slice3A_69 : vector<1x128xf32> to vector<2048x128xf32>
    %add3A_71 = arith.addf %dot_general3A_68, %add3A_70 : vector<2048x128xf32>
    %slice3A_72 = vector.extract_strided_slice %add3A_71 {offsets = [0, 0], sizes = [2048, 1], strides = [1, 1]} : vector<2048x128xf32> to vector<2048x1xf32>
    %swap3A = arith.constant 0 : index
    %swap3A_73 = arith.constant 0 : index
    %swap3A_74 = vector.load %arg11[%swap3A, %swap3A_73] : memref<2048x1xf32, #tpu.memory_space<vmem>>, vector<2048x1xf32>
    tpu.vector_store %arg11[%swap3A, %swap3A_73], %slice3A_72 {strides = array<i32>} : memref<2048x1xf32, #tpu.memory_space<vmem>>, vector<2048x1xf32>,
    return
  }
  func.func @transform_0(%arg0: i32) -> (i32, i32) {
    %c0_i32 = arith.constant 0 : i32
    %c0_i32_0 = arith.constant 0 : i32
    return %arg0, %c0_i32 : i32, i32
  }
  func.func @transform_1(%arg0: i32) -> (i32, i32) {
    %c0_i32 = arith.constant 0 : i32
    %c0_i32_0 = arith.constant 0 : i32
    return %arg0, %c0_i32 : i32, i32
  }
  func.func @transform_2(%arg0: i32) -> (i32, i32) {
    %add3A = arith.constant 5 : i32
    %add3A_0 = arith.addi %arg0, %add3A : i32
    %c0_i32 = arith.constant 0 : i32
    %c0_i32_1 = arith.constant 0 : i32
    return %add3A_0, %c0_i32 : i32, i32
  }
  func.func @transform_3(%arg0: i32) -> (i32, i32) {
    %c0_i32 = arith.constant 0 : i32
    %c0_i32_0 = arith.constant 0 : i32
    return %arg0, %c0_i32 : i32, i32
  }
  func.func @transform_4(%arg0: i32) -> (i32, i32) {
    %add3A = arith.constant 5 : i32
    %add3A_0 = arith.addi %arg0, %add3A : i32
    %c0_i32 = arith.constant 0 : i32
    %c0_i32_1 = arith.constant 0 : i32
    return %add3A_0, %c0_i32 : i32, i32
  }
  func.func @transform_5(%arg0: i32) -> (i32, i32) {
    %c0_i32 = arith.constant 0 : i32
    %c0_i32_0 = arith.constant 0 : i32
    return %arg0, %c0_i32 : i32, i32
  }
  func.func @transform_6(%arg0: i32) -> (i32, i32) {
    %c0_i32 = arith.constant 0 : i32
    %c0_i32_0 = arith.constant 0 : i32
    %c0_i32_1 = arith.constant 0 : i32
    return %c0_i32, %c0_i32_0 : i32, i32
  }
  func.func @transform_7(%arg0: i32) -> (i32, i32) {
    %c0_i32 = arith.constant 0 : i32
    %c0_i32_0 = arith.constant 0 : i32
    %c0_i32_1 = arith.constant 0 : i32
    return %c0_i32, %c0_i32_0 : i32, i32
  }
  func.func @transform_8(%arg0: i32) -> (i32, i32) {
    %c0_i32 = arith.constant 0 : i32
    %c0_i32_0 = arith.constant 0 : i32
    %c0_i32_1 = arith.constant 0 : i32
    return %c0_i32, %c0_i32_0 : i32, i32
  }
  func.func @transform_9(%arg0: i32) -> (i32, i32) {
    %c0_i32 = arith.constant 0 : i32
    %c0_i32_0 = arith.constant 0 : i32
    %c0_i32_1 = arith.constant 0 : i32
    return %c0_i32, %c0_i32_0 : i32, i32
  }
  func.func @transform_10(%arg0: i32) -> (i32, i32) {
    %c0_i32 = arith.constant 0 : i32
    %c0_i32_0 = arith.constant 0 : i32
    return %arg0, %c0_i32 : i32, i32
  }
}

</mosaic_0001>

<sc_bundles>
// kernel: kernel.6.cloned.1.call-start
scs
__scs_entry_jumppad:
0x0: {  	(pc) =	sbr.rel $0x88, $3  }
0x1: {  	(tag) =	ssettag $0x0;
	lr =	simm.s32 $0x1  }
0x2: {  	[smem:$0x3F97] =	sst lr;
	_ =	strace $0xD0000000  }
0x3: {  	_ = 	snop  }
0x4: {  	_ = 	snop  }
0x5: {  	_ = 	snop  }
0x6: {  	_ = 	snop  }
0x7: {  	_ = 	snop  }
__scs_overlays_trampoline_lowered:
0x8: {  	[smem:$0x3FA6] =	sst s0  }
0x9: {  	[smem:$0x3FA7] =	sst s1  }
0xa: {  	[smem:$0x3FA8] =	sst s2  }
0xb: {  	[smem:$0x3FA9] =	sst s3  }
0xc: {  	[smem:$0x3FAA] =	sst s4  }
0xd: {  	[smem:$0x3FAB] =	sst s5  }
0xe: {  	[smem:$0x3FAC] =	sst s6  }
0xf: {  	[smem:$0x3FAD] =	sst s7  }
0x10: {  	[smem:$0x3FAE] =	sst s8  }
0x11: {  	[smem:$0x3FAF] =	sst s9;
	s0 =	simm.s32 @!p0 $0x0  }
0x12: {  	s1 =	sld [smem:$0x3F95];
	s0 =	simm.s32 @p0 $0x1  }
0x13: {  	[smem:$0x3FB0] =	sst s0;
	s0 =	simm.s32 @!p1 $0x0  }
0x14: {  	s2 =	sld [smem:$0x3F94];
	s0 =	simm.s32 @p1 $0x1  }
0x15: {  	[smem:$0x3FB1] =	sst s0;
	s0 =	simm.s32 @!p2 $0x0  }
0x16: {  	s3 =	sld [smem:$0x3FDB];
	s0 =	simm.s32 @p2 $0x1  }
0x17: {  	s4 =	simm.s32 $0x1BF5;
	[smem:$0x3FB3] =	sst s0  }
0x18: {  	s0 =	sld [smem:$0x3F96];
	_ =	swait.ge [sflag:s4], $0x0  }
0x19: {  	s7 =	sld [smem:$0x3F97]  }
0x1a: {  	s8 =	sadd.s32 $0xFFFFE003, lr  }
0x1b: {  	s9 =	sadd.s32 $0xFFFFFEF7, lr;
	s5 =	simm.s32 $0xFFFFFFFF;
	p2 =	slt.u32 s8, $0xFFFFF086  }
0x1c: {  	p1 =	slt.u32 s9, $0xF7A;
	s5 =	simm.s32 @!p2 $0x0  }
0x1d: {  	s5 =	simm.s32 @p1 $0x1;
	p0 =	seq.s32 s7, s2  }
0x1e: {  	s7 =	smul.u32 @!p0 $0xF7A, s2;
	p2 =	seq.s32 @!p0 s5, $0x0  }
0x1f: {  	s9 =	smul.u32 $0xF7A, s1;
	s8 =	simm.s32 @!p0 $0x1BF5;
	p2 =	por !p2, p0  }
0x20: {  	[sflag:s8] =	ssyncset.s32 @!p0 $0xFFFFF086;
	s6 =	sadd.s32 @!p0 s3, s7;
	s7 =	simm.s32 @!p0 $0x108  }
0x21: {  	s3 =	sadd.s32 s3, s9;
	s6 =	sadd.s32 @!p0 $0x88, s6;
	s7 =	simm.s32 @p2 $0x1082  }
0x22: {  	[simem:s7], [sflag:s8] =	dma.local @!p0 [hbm:s6], $0xF7A  }
0x23: {  	s9 =	sor.u32 $0xD0000000, s2;
	s6 =	simm.s32 $0x108;
	_ =	swait.ge @!p0 [sflag:s8], $0x0  }
0x24: {  	s3 =	sadd.s32 $0x88, s3;
	s6 =	simm.s32 @!p1 $0x1082;
	[sflag:s4] =	ssyncset.s32 $0xFFFFF086  }
0x25: {  	[simem:s6], [sflag:s4] =	dma.local [hbm:s3], $0xF7A  }
0x26: {  	[smem:$0x3F97] =	sst s1;
	(tag) =	ssettag s2;
	_ =	strace s9  }
0x27: {  	s1 =	sld [smem:$0x3FA7]  }
0x28: {  	s2 =	sld [smem:$0x3FA8]  }
0x29: {  	s4 =	sld [smem:$0x3FAA]  }
0x2a: {  	p0 =	seq.s32 s5, $0x0;
	s5 =	sld [smem:$0x3FAB]  }
0x2b: {  	s6 =	sld [smem:$0x3FAC]  }
0x2c: {  	s7 =	sld [smem:$0x3FAD]  }
0x2d: {  	s3 =	simm.s32 $0x108;
	s8 =	sld [smem:$0x3FAE]  }
0x2e: {  	s3 =	simm.s32 @!p0 $0x1082;
	s9 =	sld [smem:$0x3FAF]  }
0x2f: {  	lr =	sadd.s32 s0, s3;
	s0 =	sld [smem:$0x3FA6]  }
0x30: {  	s3 =	sld [smem:$0x3FA9]  }
0x31: {  	[smem:$0x3FB2] =	sst s10  }
0x32: {  	s10 =	sld [smem:$0x3FB0];
	_ =	sdelay $0x3  }
0x33: {  	p0 =	seq.s32 s10, $0x1;
	s10 =	sld [smem:$0x3FB2];
	_ =	sdelay $0x3  }
0x34: {  	[smem:$0x3FB2] =	sst s10  }
0x35: {  	s10 =	sld [smem:$0x3FB1];
	_ =	sdelay $0x3  }
0x36: {  	p1 =	seq.s32 s10, $0x1;
	s10 =	sld [smem:$0x3FB2];
	_ =	sdelay $0x3  }
0x37: {  	[smem:$0x3FB2] =	sst s10  }
0x38: {  	s10 =	sld [smem:$0x3FB3]  }
0x39: {  	_ = 	snop;
	(pc) =	sbr.ind lr, $3  }
0x3a: {  	_ = 	snop  }
0x3b: {  	_ = 	snop  }
0x3c: {  	p2 =	seq.s32 s10, $0x1;
	s10 =	sld [smem:$0x3FB2]  }
0x3d: {  	_ =	shalt  }
0x3e: {  	_ =	shalt  }
0x3f: {  	_ =	shalt  }
0x40: {  	_ =	shalt  }
0x41: {  	_ =	shalt  }
0x42: {  	_ =	shalt  }
0x43: {  	_ =	shalt  }
0x44: {  	_ =	shalt  }
0x45: {  	_ =	shalt  }
0x46: {  	_ =	shalt  }
0x47: {  	_ =	shalt  }
0x48: {  	_ =	shalt  }
0x49: {  	_ =	shalt  }
0x4a: {  	_ =	shalt  }
0x4b: {  	_ =	shalt  }
0x4c: {  	_ =	shalt  }
0x4d: {  	_ =	shalt  }
0x4e: {  	_ =	shalt  }
0x4f: {  	_ =	shalt  }
0x50: {  	_ =	shalt  }
0x51: {  	_ =	shalt  }
0x52: {  	_ =	shalt  }
0x53: {  	_ =	shalt  }
0x54: {  	_ =	shalt  }
0x55: {  	_ =	shalt  }
0x56: {  	_ =	shalt  }
0x57: {  	_ =	shalt  }
0x58: {  	_ =	shalt  }
0x59: {  	_ =	shalt  }
0x5a: {  	_ =	shalt  }
0x5b: {  	_ =	shalt  }
0x5c: {  	_ =	shalt  }
0x5d: {  	_ =	shalt  }
0x5e: {  	_ =	shalt  }
0x5f: {  	_ =	shalt  }
0x60: {  	_ =	shalt  }
0x61: {  	_ =	shalt  }
0x62: {  	_ =	shalt  }
0x63: {  	_ =	shalt  }
0x64: {  	_ =	shalt  }
0x65: {  	_ =	shalt  }
0x66: {  	_ =	shalt  }
0x67: {  	_ =	shalt  }
0x68: {  	_ =	shalt  }
0x69: {  	_ =	shalt  }
0x6a: {  	_ =	shalt  }
0x6b: {  	_ =	shalt  }
0x6c: {  	_ =	shalt  }
0x6d: {  	_ =	shalt  }
0x6e: {  	_ =	shalt  }
0x6f: {  	_ =	shalt  }
0x70: {  	_ =	shalt  }
0x71: {  	_ =	shalt  }
0x72: {  	_ =	shalt  }
0x73: {  	_ =	shalt  }
0x74: {  	_ =	shalt  }
0x75: {  	_ =	shalt  }
0x76: {  	_ =	shalt  }
0x77: {  	_ =	shalt  }
0x78: {  	_ =	shalt  }
0x79: {  	_ =	shalt  }
0x7a: {  	_ =	shalt  }
0x7b: {  	_ =	shalt  }
0x7c: {  	_ =	shalt  }
0x7d: {  	_ =	shalt  }
0x7e: {  	_ =	shalt  }
0x7f: {  	_ =	shalt  }
0x80: {  	_ =	shalt  }
0x81: {  	_ =	shalt  }
0x82: {  	_ =	shalt  }
0x83: {  	_ =	shalt  }
0x84: {  	_ =	shalt  }
0x85: {  	_ =	shalt  }
0x86: {  	_ =	shalt  }
0x87: {  	_ =	shalt  }
.Lfunc_end0:
.L_simem_size_0:
called_computation_lowered:
.L_overlay_start_0:
0x88: {  	s2 =	sld [smem:$0x3FD9]  }
0x89: {  	s3 =	sld [smem:$0x3FFE];
	_ =	sdelay $0x1  }
0x8a: {  	s1 =	srdreg.scid  }
0x8b: {  	s0 =	sand.u32 $0x1, s1  }
0x8c: {  	s16 =	sshll.u32 s0, $0xA;
	s2 =	sadd.s32 s3, s2  }
0x8d: {  	s2 =	sadd.s32 s2, s16  }
0x8e: {  	[smem:$0x3FBE] =	sst s2  }
0x8f: {  	_ = 	snop  }
0x90: {  	(tm) =	ssettm $0x1  }
0x91: {  	s17 =	sld [smem:$0x3FFB];
	_ =	sdelay $0x3  }
0x92: {  	_ =	strace s17  }
0x93: {  	s2 =	sld [smem:$0x3FFC];
	_ =	sdelay $0x3  }
0x94: {  	_ =	strace s2  }
0x95: {  	s2 =	sld [smem:$0x3FFD];
	_ =	sdelay $0x3  }
0x96: {  	_ =	strace s2  }
0x97: {  	_ =	strace $0x8FFFFFFF  }
0x98: {  	s18 =	sld [smem:$0x3FDB];
	_ =	sdelay $0x1  }
0x99: {  	s19 =	simm.s32 $_scs_section_size  }
0x9a: {  	s4 =	simm.s32 $_size__tile_overlayer_lowered;
	s5 =	simm.s32 $_tile_overlayer_lowered  }
0x9b: {  	s22 =	simm.s32 $0x1BFF;
	s21 =	sshll.u32 s5, $0x1;
	s2 =	sadd.s32 s19, s18  }
0x9c: {  	s6 =	simm.s32 $0x0;
	s20 =	sshll.u32 s4, $0x1;
	s4 =	sadd.s32 s21, s2  }
0x9d: {  	[timem:s6], [sflag:s22] =	dma.local [hbm:s4], s20  }
0x9e: {  	_ =	swait.ge [sflag:s22], s20  }
0x9f: {  	s3 =	ssub.s32 $0x0, s20;
	[sflag:s22] =	ssyncset.done $0x0  }
0xa0: {  	[sflag:s22] =	ssyncadd.s32 s3;
	_ =	sdelay $0x1  }
0xa1: {  	s23 =	simm.s32 $0x1B8B  }
0xa2: {  	_ =	swait.ge [sflag:s23], $0x1  }
0xa3: {  	[sflag:s23] =	ssyncset.done $0x0  }
0xa4: {  	s25 =	simm.s32 $0x1B8E;
	s24 =	sld [smem:$0x3FFE];
	[sflag:s23] =	ssyncadd.s32 $0xFFFFFFFF  }
0xa5: {  	s26 =	simm.s32 $execute0_lowered;
	[smem:$0x3FD2] =	sst s25  }
0xa6: {  	s4 =	sshll.u32 s26, $0x1;
	_ =	strace $0x80000046;
	[dreg:$0x1] =	wrdreg $0xFFFFFFFF  }
0xa7: {  	s28 =	simm.s32 $_size_execute0_lowered;
	s2 =	sadd.s32 s2, s4;
	[dreg:$0x0] =	wrdreg $0x0  }
0xa8: {  	s4 =	sshll.u32 s28, $0x1;
	[dreg:$0x2] =	wrdreg s2  }
0xa9: {  	[dreg:$0x3] =	wrdreg s4  }
0xaa: {  	[dreg:$0x4] =	wrdreg $0xC0  }
0xab: {  	_ =	task [dreg:s6], $0x5FFFF  }
0xac: {  	[dreg:$0x1] =	wrdreg $0xFFFFFFFF  }
0xad: {  	[dreg:$0x0] =	wrdreg $0x60  }
0xae: {  	[dreg:$0x2] =	wrdreg s24  }
0xaf: {  	[dreg:$0x3] =	wrdreg $0x0  }
0xb0: {  	[dreg:$0x4] =	wrdreg $0x9  }
0xb1: {  	_ =	task.clear_ibuf [dreg:s6], $0x5FFFF;
	_ =	strace $0x90000046  }
0xb2: {  	s29 =	simm.s32 $0x9;
	_ =	strace $0x80000048  }
0xb3: {  	_ =	swait.ge [sflag:s29], $0x1  }
0xb4: {  	[sflag:s29] =	ssyncadd.s32 $0xFFFFFFFF  }
0xb5: {  	_ =	strace $0x90000048  }
0xb6: {  	_ =	sfence  }
0xb7: {  	s30 =	sld [smem:$0x0];
	_ =	sdelay $0x2  }
0xb8: {  	s31 =	sshll.u32 s1, $0xD;
	s1 =	sshrl.u32 s1, $0x2  }
0xb9: {  	s3 =	sand.u32 $0x4000, s31;
	s1 =	sadd.s32 s1, s30  }
0xba: {  	s0 =	sor.u32 s3, s0;
	s1 =	sshll.u32 s1, $0x11  }
0xbb: {  	s0 =	sor.u32 s1, s0  }
0xbc: {  	s0 =	sadd.s32 $0x8F2B, s0  }
0xbd: {  	[sflag:s0] =	ssyncadd.remote.s32 $0x1  }
0xbe: {  	_ =	sfence.sel $0xFFFF  }
0xbf: {  	[dreg:$0x0] =	wrdreg $0xFFFFFFFF;
	(pc) =	sbr.abs _section_cstart, $3  }
0xc0: {  	[dreg:$0x1] =	wrdreg $0xFFFFFFFF  }
0xc1: {  	_ =	task.clear_ibuf [dreg:s6], $0x2FFFF;
	_ =	strace $0x9FFFFFFF  }
0xc2: {  	(tm) =	ssettm $0x7FFFFFFF  }
0xc3: {  	_ =	shalt  }
tec
execute0_lowered:
.L_overlay_start_1:
0x0: {  	(tag) =	ssettag $0x1  }
0x1: {  	s6 =	rddreg [dreg:$0x0]  }
0x2: {  	s0 =	srdreg.scid;
	s2 =	rddreg [dreg:$0x1]  }
0x3: {  	s3 =	simm.s32 $0x0;
	s5 =	sand.u32 $0x1, s0;
	s0 =	stileid.u32  }
0x4: {  	s14 =	simm.s32 $0x80;
	s15 =	simm.s32 $0x0;
	s7 =	smul.u32 $0x14000, s0  }
0x5: {  	[smem:$0x7FF] =	sst s3;
	s1 =	sshll.u32 s5, $0x4;
	s8 =	smul.u32 $0x140000, s5  }
0x6: {  	s5 =	ssub.s32 $0x2, s5;
	s28 =	smul.u32 $0x50000, s0;
	s1 =	sor.u32 s0, s1  }
0x7: {  	s31 =	sshll.u32 s0, $0x6;
	s29 =	sshrl.u32 s5, $0x1;
	s4 =	smul.u32 $0x280, s1  }
0x8: {  	s1 =	rddreg [dreg:$0x2];
	_ =	strace $0x80000047;
	s10 =	sshrl.u32 s7, $0x3  }
0x9: {  	s7 =	sadd.s32 s7, s8;
	s12 =	ssub.s32 s5, s29;
	s30 =	sshrl.u32 s28, $0x2  }
0xa: {  	s7 =	sshrl.u32 s7, $0x3;
	s10 =	sadd.s32 s10, s6;
	s13 =	sadd.s32 s30, s2  }
0xb: {  	s9 =	sadd.s32 s4, s6;
	s4 =	sadd.s32 $0x6400, s6;
	s11 =	sadd.s32 s7, s6  }
0xc: {  	s5 =	sadd.s32 $0x6C00, s10;
	s6 =	sor.u32 $0x1C01, s31;
	s10 =	sshrl.u32 s13, $0x3  }
0xd: {  	s13 =	simm.s32 $0x15400;
	s7 =	sadd.s32 $0x1400, s9;
	s8 =	sadd.s32 $0x2EC00, s11  }
0xe: {  	s9 =	smax.u32 s12, $0x1;
	s11 =	simm.s32 $0x1;
	s12 =	simm.s32 $0x14000  }
.LBB2_1:
0xf: {  	[spmem:s10], [sflag:s6] =	dma.local [hbm:s5], $0x2800  }
0x10: {  	_ =	swait.ge [sflag:s11], $0x2800  }
0x11: {  	[sflag:s11] =	ssyncset.done $0x0  }
0x12: {  	[sflag:s11] =	ssyncadd.s32 $0xFFFFD800  }
0x13: {  	[tilespmem:s12], [sflag:$0x1] =	stream.linear.gather [hbm4b:s7+s3], $0x1400, $0x38;
	[tilespmem:$0x19400] =	vst v63  }
0x14: {  	_ =	swait.ge [sflag:s11], $0x1400  }
0x15: {  	[sflag:s11] =	ssyncset.done $0x0  }
0x16: {  	[sflag:s11] =	ssyncadd.s32 $0xFFFFEC00  }
0x17: {  	[tilespmem:s13], [sflag:$0x1] =	stream.linear.gather [hbm4b:s4+s3], $0x4000, $0x38;
	[tilespmem:$0x19400] =	vst v63  }
0x18: {  	_ =	swait.ge [sflag:s11], $0x4000  }
0x19: {  	[sflag:s11] =	ssyncset.done $0x0  }
0x1a: {  	[sflag:s11] =	ssyncadd.s32 $0xFFFFC000  }
0x1b: {  	s16 =	simm.s32 $0x14000;
	[bflag:$0x0] =	sbarrier.arrive $0xFFFF  }
0x1c: {  	[spmem:s2] =	stream.indirect.scatter.add.f32 [tilespmem:s13], [sflag:$0x1], $0x80, s16, s14, $0xb8;
	[tilespmem:$0x19400] =	vst v63  }
0x1d: {  	s16 =	simm.s32 $0x200;
	_ =	swait.ge [sflag:s11], $0x4000  }
.LBB2_2:
0x1e: {  	s17 =	sshra.s32 s16, $0x2;
	[sflag:s11] =	ssyncset.done $0x0;
	p0 =	sne.s32 s16, $0x4E00  }
.Ltmp0:
0x1f: {  	s17 =	sadd.s32 $0x14000, s17;
	[sflag:s11] =	ssyncadd.s32 $0xFFFFC000;
	(pc) =	sbr.rel @p0 .LBB2_2-.Ltmp0, $3  }
0x20: {  	[spmem:s2] =	stream.indirect.scatter.add.f32 [tilespmem:s13], [sflag:$0x1], $0x80, s17, s14, $0xb8;
	[tilespmem:$0x19400] =	vst v63  }
0x21: {  	s16 =	sadd.s32 $0x200, s16;
	_ =	sdelay $0x1  }
0x22: {  	_ =	swait.ge [sflag:s11], $0x4000  }
0x23: {  	[sflag:s11] =	ssyncset.done $0x0;
	s15 =	sadd.s32 $0x1, s15  }
0x24: {  	[sflag:s11] =	ssyncadd.s32 $0xFFFFC000;
	p0 =	sne.s32 s15, s9  }
.Ltmp1:
0x25: {  	[bflag:$0x0] =	sbarrier.arrive $0xFFFF;
	(pc) =	sbr.rel @p0 .LBB2_1-.Ltmp1, $4  }
0x26: {  	[hbm:s8], [sflag:s6] =	dma.local [spmem:s10], $0x2800  }
0x27: {  	_ =	swait.ge [sflag:s11], $0x2800  }
0x28: {  	[sflag:s11] =	ssyncset.done $0x0  }
0x29: {  	[sflag:s11] =	ssyncadd.s32 $0xFFFFD800  }
0x2a: {  	_ =	sfence.sel $0x180000  }
0x2b: {  	[bflag:$0x0] =	sbarrier.arrive $0xFFFF  }
0x2c: {  	p0 =	sne.s32 s0, $0x0;
	_ =	strace $0x90000047  }
0x2d: {  	s0 =	sadd.s32 @!p0 $0x100000, s1;
	[bflag:$0x2] =	sbarrier.arrive $0xFFFF  }
0x2e: {  	[sflag:s0] =	ssyncadd.tile.s32 @!p0 $0x1;
	_ =	shalt  }
.Lfunc_end2:
_tile_overlayer_lowered:
.L_overlay_start_2:
0x2f: {  	(tag) =	ssettag $0x2  }
0x30: {  	s0 =	rddreg [dreg:$0x0];
	s2 =	stileid.u32  }
0x31: {  	s1 =	rddreg [dreg:$0x1];
	p0 =	sne.s32 s2, $0x0  }
0x32: {  	s3 =	rddreg [dreg:$0x2];
	[bflag:$0x3] =	sbarrier.arrive $0xFFFF;
	s2 =	simm.s32 @!p0 $0x1C01  }
0x33: {  	[timem:s3], [sflag:s2] =	dma.local @!p0 [hbm:s0], s1  }
0x34: {  	s0 =	simm.s32 @!p0 $0x1  }
0x35: {  	_ =	swait.ge @!p0 [sflag:s0], s1  }
0x36: {  	s1 =	ssub.s32 @!p0 $0x0, s1;
	[sflag:s0] =	ssyncset.done @!p0 $0x0  }
0x37: {  	[sflag:s0] =	ssyncadd.s32 @!p0 s1  }
0x38: {  	[bflag:$0x3] =	sbarrier.arrive $0xFFFF  }
0x39: {  	_ =	shalt  }

// kernel: kernel.9.cloned.1.call-start
scs
__scs_entry_jumppad:
0x0: {  	(pc) =	sbr.rel $0x88, $3  }
0x1: {  	(tag) =	ssettag $0x0;
	lr =	simm.s32 $0x1  }
0x2: {  	[smem:$0x3F97] =	sst lr;
	_ =	strace $0xD0000000  }
0x3: {  	_ = 	snop  }
0x4: {  	_ = 	snop  }
0x5: {  	_ = 	snop  }
0x6: {  	_ = 	snop  }
0x7: {  	_ = 	snop  }
__scs_overlays_trampoline_lowered:
0x8: {  	[smem:$0x3FA6] =	sst s0  }
0x9: {  	[smem:$0x3FA7] =	sst s1  }
0xa: {  	[smem:$0x3FA8] =	sst s2  }
0xb: {  	[smem:$0x3FA9] =	sst s3  }
0xc: {  	[smem:$0x3FAA] =	sst s4  }
0xd: {  	[smem:$0x3FAB] =	sst s5  }
0xe: {  	[smem:$0x3FAC] =	sst s6  }
0xf: {  	[smem:$0x3FAD] =	sst s7  }
0x10: {  	[smem:$0x3FAE] =	sst s8  }
0x11: {  	[smem:$0x3FAF] =	sst s9;
	s0 =	simm.s32 @!p0 $0x0  }
0x12: {  	s1 =	sld [smem:$0x3F95];
	s0 =	simm.s32 @p0 $0x1  }
0x13: {  	[smem:$0x3FB0] =	sst s0;
	s0 =	simm.s32 @!p1 $0x0  }
0x14: {  	s2 =	sld [smem:$0x3F94];
	s0 =	simm.s32 @p1 $0x1  }
0x15: {  	[smem:$0x3FB1] =	sst s0;
	s0 =	simm.s32 @!p2 $0x0  }
0x16: {  	s3 =	sld [smem:$0x3FDB];
	s0 =	simm.s32 @p2 $0x1  }
0x17: {  	s4 =	simm.s32 $0x1BF5;
	[smem:$0x3FB3] =	sst s0  }
0x18: {  	s0 =	sld [smem:$0x3F96];
	_ =	swait.ge [sflag:s4], $0x0  }
0x19: {  	s7 =	sld [smem:$0x3F97]  }
0x1a: {  	s8 =	sadd.s32 $0xFFFFE003, lr  }
0x1b: {  	s9 =	sadd.s32 $0xFFFFFEF7, lr;
	s5 =	simm.s32 $0xFFFFFFFF;
	p2 =	slt.u32 s8, $0xFFFFF086  }
0x1c: {  	p1 =	slt.u32 s9, $0xF7A;
	s5 =	simm.s32 @!p2 $0x0  }
0x1d: {  	s5 =	simm.s32 @p1 $0x1;
	p0 =	seq.s32 s7, s2  }
0x1e: {  	s7 =	smul.u32 @!p0 $0xF7A, s2;
	p2 =	seq.s32 @!p0 s5, $0x0  }
0x1f: {  	s9 =	smul.u32 $0xF7A, s1;
	s8 =	simm.s32 @!p0 $0x1BF5;
	p2 =	por !p2, p0  }
0x20: {  	[sflag:s8] =	ssyncset.s32 @!p0 $0xFFFFF086;
	s6 =	sadd.s32 @!p0 s3, s7;
	s7 =	simm.s32 @!p0 $0x108  }
0x21: {  	s3 =	sadd.s32 s3, s9;
	s6 =	sadd.s32 @!p0 $0x88, s6;
	s7 =	simm.s32 @p2 $0x1082  }
0x22: {  	[simem:s7], [sflag:s8] =	dma.local @!p0 [hbm:s6], $0xF7A  }
0x23: {  	s9 =	sor.u32 $0xD0000000, s2;
	s6 =	simm.s32 $0x108;
	_ =	swait.ge @!p0 [sflag:s8], $0x0  }
0x24: {  	s3 =	sadd.s32 $0x88, s3;
	s6 =	simm.s32 @!p1 $0x1082;
	[sflag:s4] =	ssyncset.s32 $0xFFFFF086  }
0x25: {  	[simem:s6], [sflag:s4] =	dma.local [hbm:s3], $0xF7A  }
0x26: {  	[smem:$0x3F97] =	sst s1;
	(tag) =	ssettag s2;
	_ =	strace s9  }
0x27: {  	s1 =	sld [smem:$0x3FA7]  }
0x28: {  	s2 =	sld [smem:$0x3FA8]  }
0x29: {  	s4 =	sld [smem:$0x3FAA]  }
0x2a: {  	p0 =	seq.s32 s5, $0x0;
	s5 =	sld [smem:$0x3FAB]  }
0x2b: {  	s6 =	sld [smem:$0x3FAC]  }
0x2c: {  	s7 =	sld [smem:$0x3FAD]  }
0x2d: {  	s3 =	simm.s32 $0x108;
	s8 =	sld [smem:$0x3FAE]  }
0x2e: {  	s3 =	simm.s32 @!p0 $0x1082;
	s9 =	sld [smem:$0x3FAF]  }
0x2f: {  	lr =	sadd.s32 s0, s3;
	s0 =	sld [smem:$0x3FA6]  }
0x30: {  	s3 =	sld [smem:$0x3FA9]  }
0x31: {  	[smem:$0x3FB2] =	sst s10  }
0x32: {  	s10 =	sld [smem:$0x3FB0];
	_ =	sdelay $0x3  }
0x33: {  	p0 =	seq.s32 s10, $0x1;
	s10 =	sld [smem:$0x3FB2];
	_ =	sdelay $0x3  }
0x34: {  	[smem:$0x3FB2] =	sst s10  }
0x35: {  	s10 =	sld [smem:$0x3FB1];
	_ =	sdelay $0x3  }
0x36: {  	p1 =	seq.s32 s10, $0x1;
	s10 =	sld [smem:$0x3FB2];
	_ =	sdelay $0x3  }
0x37: {  	[smem:$0x3FB2] =	sst s10  }
0x38: {  	s10 =	sld [smem:$0x3FB3]  }
0x39: {  	_ = 	snop;
	(pc) =	sbr.ind lr, $3  }
0x3a: {  	_ = 	snop  }
0x3b: {  	_ = 	snop  }
0x3c: {  	p2 =	seq.s32 s10, $0x1;
	s10 =	sld [smem:$0x3FB2]  }
0x3d: {  	_ =	shalt  }
0x3e: {  	_ =	shalt  }
0x3f: {  	_ =	shalt  }
0x40: {  	_ =	shalt  }
0x41: {  	_ =	shalt  }
0x42: {  	_ =	shalt  }
0x43: {  	_ =	shalt  }
0x44: {  	_ =	shalt  }
0x45: {  	_ =	shalt  }
0x46: {  	_ =	shalt  }
0x47: {  	_ =	shalt  }
0x48: {  	_ =	shalt  }
0x49: {  	_ =	shalt  }
0x4a: {  	_ =	shalt  }
0x4b: {  	_ =	shalt  }
0x4c: {  	_ =	shalt  }
0x4d: {  	_ =	shalt  }
0x4e: {  	_ =	shalt  }
0x4f: {  	_ =	shalt  }
0x50: {  	_ =	shalt  }
0x51: {  	_ =	shalt  }
0x52: {  	_ =	shalt  }
0x53: {  	_ =	shalt  }
0x54: {  	_ =	shalt  }
0x55: {  	_ =	shalt  }
0x56: {  	_ =	shalt  }
0x57: {  	_ =	shalt  }
0x58: {  	_ =	shalt  }
0x59: {  	_ =	shalt  }
0x5a: {  	_ =	shalt  }
0x5b: {  	_ =	shalt  }
0x5c: {  	_ =	shalt  }
0x5d: {  	_ =	shalt  }
0x5e: {  	_ =	shalt  }
0x5f: {  	_ =	shalt  }
0x60: {  	_ =	shalt  }
0x61: {  	_ =	shalt  }
0x62: {  	_ =	shalt  }
0x63: {  	_ =	shalt  }
0x64: {  	_ =	shalt  }
0x65: {  	_ =	shalt  }
0x66: {  	_ =	shalt  }
0x67: {  	_ =	shalt  }
0x68: {  	_ =	shalt  }
0x69: {  	_ =	shalt  }
0x6a: {  	_ =	shalt  }
0x6b: {  	_ =	shalt  }
0x6c: {  	_ =	shalt  }
0x6d: {  	_ =	shalt  }
0x6e: {  	_ =	shalt  }
0x6f: {  	_ =	shalt  }
0x70: {  	_ =	shalt  }
0x71: {  	_ =	shalt  }
0x72: {  	_ =	shalt  }
0x73: {  	_ =	shalt  }
0x74: {  	_ =	shalt  }
0x75: {  	_ =	shalt  }
0x76: {  	_ =	shalt  }
0x77: {  	_ =	shalt  }
0x78: {  	_ =	shalt  }
0x79: {  	_ =	shalt  }
0x7a: {  	_ =	shalt  }
0x7b: {  	_ =	shalt  }
0x7c: {  	_ =	shalt  }
0x7d: {  	_ =	shalt  }
0x7e: {  	_ =	shalt  }
0x7f: {  	_ =	shalt  }
0x80: {  	_ =	shalt  }
0x81: {  	_ =	shalt  }
0x82: {  	_ =	shalt  }
0x83: {  	_ =	shalt  }
0x84: {  	_ =	shalt  }
0x85: {  	_ =	shalt  }
0x86: {  	_ =	shalt  }
0x87: {  	_ =	shalt  }
.Lfunc_end0:
.L_simem_size_0:
called_computation.1_lowered:
.L_overlay_start_0:
0x88: {  	s2 =	sld [smem:$0x3FD9]  }
0x89: {  	s3 =	sld [smem:$0x3FFE];
	_ =	sdelay $0x1  }
0x8a: {  	s1 =	srdreg.scid  }
0x8b: {  	s0 =	sand.u32 $0x1, s1  }
0x8c: {  	s16 =	sshll.u32 s0, $0xA;
	s2 =	sadd.s32 s3, s2  }
0x8d: {  	s2 =	sadd.s32 s2, s16  }
0x8e: {  	[smem:$0x3FBE] =	sst s2  }
0x8f: {  	_ = 	snop  }
0x90: {  	(tm) =	ssettm $0x1  }
0x91: {  	s17 =	sld [smem:$0x3FFB];
	_ =	sdelay $0x3  }
0x92: {  	_ =	strace s17  }
0x93: {  	s2 =	sld [smem:$0x3FFC];
	_ =	sdelay $0x3  }
0x94: {  	_ =	strace s2  }
0x95: {  	s2 =	sld [smem:$0x3FFD];
	_ =	sdelay $0x3  }
0x96: {  	_ =	strace s2  }
0x97: {  	_ =	strace $0x8FFFFFFF  }
0x98: {  	s18 =	sld [smem:$0x3FDB];
	_ =	sdelay $0x1  }
0x99: {  	s19 =	simm.s32 $_scs_section_size  }
0x9a: {  	s4 =	simm.s32 $_size__tile_overlayer_lowered;
	s5 =	simm.s32 $_tile_overlayer_lowered  }
0x9b: {  	s22 =	simm.s32 $0x1BFF;
	s21 =	sshll.u32 s5, $0x1;
	s2 =	sadd.s32 s19, s18  }
0x9c: {  	s6 =	simm.s32 $0x0;
	s20 =	sshll.u32 s4, $0x1;
	s4 =	sadd.s32 s21, s2  }
0x9d: {  	[timem:s6], [sflag:s22] =	dma.local [hbm:s4], s20  }
0x9e: {  	_ =	swait.ge [sflag:s22], s20  }
0x9f: {  	s3 =	ssub.s32 $0x0, s20;
	[sflag:s22] =	ssyncset.done $0x0  }
0xa0: {  	[sflag:s22] =	ssyncadd.s32 s3;
	_ =	sdelay $0x1  }
0xa1: {  	s23 =	simm.s32 $0x1B8B  }
0xa2: {  	_ =	swait.ge [sflag:s23], $0x1  }
0xa3: {  	[sflag:s23] =	ssyncset.done $0x0  }
0xa4: {  	s25 =	simm.s32 $0x1B8E;
	s24 =	sld [smem:$0x3FFE];
	[sflag:s23] =	ssyncadd.s32 $0xFFFFFFFF  }
0xa5: {  	s26 =	simm.s32 $execute0_lowered;
	[smem:$0x3FD2] =	sst s25  }
0xa6: {  	s4 =	sshll.u32 s26, $0x1;
	_ =	strace $0x80000049;
	[dreg:$0x1] =	wrdreg $0xFFFFFFFF  }
0xa7: {  	s28 =	simm.s32 $_size_execute0_lowered;
	s2 =	sadd.s32 s2, s4;
	[dreg:$0x0] =	wrdreg $0x0  }
0xa8: {  	s4 =	sshll.u32 s28, $0x1;
	[dreg:$0x2] =	wrdreg s2  }
0xa9: {  	[dreg:$0x3] =	wrdreg s4  }
0xaa: {  	[dreg:$0x4] =	wrdreg $0xC0  }
0xab: {  	_ =	task [dreg:s6], $0x5FFFF  }
0xac: {  	[dreg:$0x1] =	wrdreg $0xFFFFFFFF  }
0xad: {  	[dreg:$0x0] =	wrdreg $0x60  }
0xae: {  	[dreg:$0x2] =	wrdreg s24  }
0xaf: {  	[dreg:$0x3] =	wrdreg $0x0  }
0xb0: {  	[dreg:$0x4] =	wrdreg $0x9  }
0xb1: {  	_ =	task.clear_ibuf [dreg:s6], $0x5FFFF;
	_ =	strace $0x90000049  }
0xb2: {  	s29 =	simm.s32 $0x9;
	_ =	strace $0x8000004B  }
0xb3: {  	_ =	swait.ge [sflag:s29], $0x1  }
0xb4: {  	[sflag:s29] =	ssyncadd.s32 $0xFFFFFFFF  }
0xb5: {  	_ =	strace $0x9000004B  }
0xb6: {  	_ =	sfence  }
0xb7: {  	s30 =	sld [smem:$0x0];
	_ =	sdelay $0x2  }
0xb8: {  	s31 =	sshll.u32 s1, $0xD;
	s1 =	sshrl.u32 s1, $0x2  }
0xb9: {  	s3 =	sand.u32 $0x4000, s31;
	s1 =	sadd.s32 s1, s30  }
0xba: {  	s0 =	sor.u32 s3, s0;
	s1 =	sshll.u32 s1, $0x11  }
0xbb: {  	s0 =	sor.u32 s1, s0  }
0xbc: {  	s0 =	sadd.s32 $0x8F2B, s0  }
0xbd: {  	[sflag:s0] =	ssyncadd.remote.s32 $0x1  }
0xbe: {  	_ =	sfence.sel $0xFFFF  }
0xbf: {  	[dreg:$0x0] =	wrdreg $0xFFFFFFFF;
	(pc) =	sbr.abs _section_cstart, $3  }
0xc0: {  	[dreg:$0x1] =	wrdreg $0xFFFFFFFF  }
0xc1: {  	_ =	task.clear_ibuf [dreg:s6], $0x2FFFF;
	_ =	strace $0x9FFFFFFF  }
0xc2: {  	(tm) =	ssettm $0x7FFFFFFF  }
0xc3: {  	_ =	shalt  }
tec
execute0_lowered:
.L_overlay_start_1:
0x0: {  	(tag) =	ssettag $0x1  }
0x1: {  	s0 =	rddreg [dreg:$0x0]  }
0x2: {  	s2 =	rddreg [dreg:$0x1];
	s3 =	simm.s32 $0x0  }
0x3: {  	s11 =	stileid.u32;
	s1 =	srdreg.scid;
	s14 =	simm.s32 $0x5  }
0x4: {  	s15 =	simm.s32 $0x14000;
	s16 =	simm.s32 $0x15400;
	s17 =	simm.s32 $0x40  }
0x5: {  	s18 =	simm.s32 $0x16800;
	s19 =	simm.s32 $0x14040;
	s20 =	simm.s32 $0x18800  }
0x6: {  	s21 =	simm.s32 $0x1A800;
	s22 =	simm.s32 $0x1C800;
	s28 =	simm.s32 $0x4  }
0x7: {  	s29 =	simm.s32 $0x15380;
	s30 =	simm.s32 $0x153C0;
	s31 =	simm.s32 $0x16700  }
0x8: {  	[smem:$0x7FF] =	sst s3;
	s8 =	smul.u32 $0x2800, s11;
	s1 =	sand.u32 $0x1, s1  }
0x9: {  	s4 =	sadd.s32 $0x88C00, s0;
	s6 =	sadd.s32 $0x7EC00, s0;
	s9 =	smul.u32 $0x50000, s11  }
0xa: {  	s7 =	sadd.s32 $0x1400, s0;
	s25 =	sshll.u32 s11, $0x6;
	s5 =	smul.u32 $0x28000, s1  }
0xb: {  	_ =	strace $0x8000004A;
	s1 =	ssub.s32 $0x2, s1;
	s10 =	sadd.s32 s8, s0  }
0xc: {  	s23 =	sshrl.u32 s1, $0x1;
	s9 =	sshrl.u32 s9, $0x2;
	s8 =	sadd.s32 s8, s5  }
0xd: {  	s1 =	ssub.s32 s1, s23;
	s24 =	sadd.s32 s9, s2;
	s10 =	sadd.s32 $0x6C00, s10  }
0xe: {  	s9 =	sor.u32 $0x1C05, s25;
	s23 =	simm.s32 $0x1;
	s25 =	simm.s32 $0x80  }
0xf: {  	s0 =	sadd.s32 s8, s0;
	[dreg:$0x3] =	wrdreg s10;
	s26 =	smax.u32 s1, $0x1  }
0x10: {  	s10 =	smul.u32 $0x50, s11;
	s8 =	sshrl.u32 s24, $0x3;
	[dreg:$0x5] =	wrdreg s26  }
0x11: {  	s24 =	simm.s32 $0x3;
	s0 =	sadd.s32 $0x2EC00, s0;
	[dreg:$0x6] =	wrdreg s8  }
0x12: {  	s26 =	simm.s32 $0x2;
	[dreg:$0x4] =	wrdreg s0;
	s0 =	simm.s32 $0x16780  }
.LBB2_1:
0x13: {  	s1 =	rddreg [dreg:$0x3]  }
0x14: {  	[spmem:s8], [sflag:s9] =	dma.local [hbm:s1], $0x2800  }
0x15: {  	_ =	swait.ge [sflag:s14], $0x2800  }
0x16: {  	[sflag:s14] =	ssyncset.done $0x0  }
0x17: {  	s13 =	smov.u32 s9;
	[sflag:s14] =	ssyncadd.s32 $0xFFFFD800  }
0x18: {  	p1 =	por $0x1, $0x1;
	s1 =	simm.s32 $0x0;
	[bflag:$0x0] =	sbarrier.arrive $0xFFFF  }
.LBB2_2:
0x19: {  	s1 =	sadd.s32 s10, s1  }
0x1a: {  	s8 =	sshll.u32 s1, $0x7  }
0x1b: {  	s8 =	sadd.s32 s5, s8  }
0x1c: {  	s8 =	sshrl.u32 s8, $0x3  }
0x1d: {  	s11 =	simm.s32 $0x0;
	s8 =	sadd.s32 s6, s8  }
0x1e: {  	[tilespmem:s15], [sflag:$0x5] =	stream.linear.gather [hbm4b:s8+s11], $0x1400, $0x38;
	[tilespmem:$0x1E800] =	vst v63  }
0x1f: {  	_ =	swait.ge [sflag:s14], $0x1400  }
0x20: {  	s1 =	sshll.u32 s1, $0x4;
	[sflag:s14] =	ssyncset.done $0x0  }
0x21: {  	s1 =	sadd.s32 s7, s1;
	[sflag:s14] =	ssyncadd.s32 $0xFFFFEC00  }
0x22: {  	[tilespmem:s16], [sflag:$0x5] =	stream.linear.gather [hbm4b:s1+s11], $0x1400, $0x38;
	[tilespmem:$0x1E800] =	vst v63  }
0x23: {  	_ =	swait.ge [sflag:s14], $0x1400  }
0x24: {  	[sflag:s14] =	ssyncset.done $0x0  }
0x25: {  	[sflag:s14] =	ssyncadd.s32 $0xFFFFEC00  }
0x26: {  	[tilespmem:s18], [sflag:$0x1] =	stream.indirect.gather [hbm4b:s4+s17], $0x80, s15, s17, $0xb8;
	[tilespmem:$0x1E800] =	vst v63  }
0x27: {  	_ = 	snop  }
0x28: {  	[tilespmem:s20], [sflag:$0x3] =	stream.indirect.gather [hbm4b:s4+s17], $0x80, s19, s17, $0xb8;
	[tilespmem:$0x1E800] =	vst v63  }
0x29: {  	s11 =	simm.s32 $0x14080  }
0x2a: {  	[tilespmem:s21], [sflag:$0x2] =	stream.indirect.gather [hbm4b:s4+s17], $0x80, s11, s17, $0xb8;
	[tilespmem:$0x1E800] =	vst v63  }
0x2b: {  	s12 =	simm.s32 $0x140C0  }
0x2c: {  	[tilespmem:s22], [sflag:$0x4] =	stream.indirect.gather [hbm4b:s4+s17], $0x80, s12, s17, $0xb8;
	[tilespmem:$0x1E800] =	vst v63  }
0x2d: {  	_ =	swait.ge [sflag:s23], $0x2000  }
0x2e: {  	[sflag:s23] =	ssyncset.done $0x0  }
0x2f: {  	[sflag:s23] =	ssyncadd.s32 $0xFFFFE000  }
0x30: {  	_ =	swait.ge [sflag:s24], $0x2000  }
0x31: {  	[sflag:s24] =	ssyncset.done $0x0  }
0x32: {  	s8 =	simm.s32 $0x15400;
	[sflag:s24] =	ssyncadd.s32 $0xFFFFE000  }
0x33: {  	[spmem:s2] =	stream.indirect.scatter.add.f32 [tilespmem:s18], [sflag:$0x5], $0x80, s8, s25, $0xb8;
	[tilespmem:$0x1E800] =	vst v63  }
0x34: {  	_ =	swait.ge [sflag:s14], $0x4000  }
0x35: {  	[sflag:s14] =	ssyncset.done $0x0  }
0x36: {  	s9 =	simm.s32 $0x14100;
	[sflag:s14] =	ssyncadd.s32 $0xFFFFC000  }
0x37: {  	[tilespmem:s18], [sflag:$0x1] =	stream.indirect.gather [hbm4b:s4+s17], $0x80, s9, s17, $0xb8;
	[tilespmem:$0x1E800] =	vst v63  }
0x38: {  	s11 =	simm.s32 $0x14140  }
0x39: {  	[tilespmem:s20], [sflag:$0x3] =	stream.indirect.gather [hbm4b:s4+s17], $0x80, s11, s17, $0xb8;
	[tilespmem:$0x1E800] =	vst v63  }
0x3a: {  	_ =	swait.ge [sflag:s26], $0x2000  }
0x3b: {  	[sflag:s26] =	ssyncset.done $0x0  }
0x3c: {  	[sflag:s26] =	ssyncadd.s32 $0xFFFFE000  }
0x3d: {  	_ =	swait.ge [sflag:s28], $0x2000  }
0x3e: {  	[sflag:s28] =	ssyncset.done $0x0  }
0x3f: {  	s12 =	simm.s32 $0x15480;
	[sflag:s28] =	ssyncadd.s32 $0xFFFFE000  }
0x40: {  	[spmem:s2] =	stream.indirect.scatter.add.f32 [tilespmem:s21], [sflag:$0x5], $0x80, s12, s25, $0xb8;
	[tilespmem:$0x1E800] =	vst v63  }
0x41: {  	p0 =	por p1, p1;
	_ =	swait.ge [sflag:s14], $0x4000  }
0x42: {  	s1 =	simm.s32 $0x100;
	s8 =	simm.s32 $0x800;
	[sflag:s14] =	ssyncset.done $0x0  }
.LBB2_3:
0x43: {  	s11 =	sadd.s32 $0x14080, s1  }
0x44: {  	[sflag:s14] =	ssyncadd.s32 $0xFFFFC000;
	s12 =	smov.u32 s8;
	s9 =	sadd.s32 $0x400, s8  }
0x45: {  	[tilespmem:s21], [sflag:$0x2] =	stream.indirect.gather [hbm4b:s4+s17], $0x80, s11, s17, $0xb8;
	[tilespmem:$0x1E800] =	vst v63  }
0x46: {  	p1 =	sne.s32 s8, $0x4800;
	s8 =	sadd.s32 $0x140C0, s1  }
0x47: {  	[tilespmem:s22], [sflag:$0x4] =	stream.indirect.gather [hbm4b:s4+s17], $0x80, s8, s17, $0xb8;
	[tilespmem:$0x1E800] =	vst v63  }
0x48: {  	_ =	swait.ge [sflag:s23], $0x2000  }
0x49: {  	[sflag:s23] =	ssyncset.done $0x0  }
0x4a: {  	[sflag:s23] =	ssyncadd.s32 $0xFFFFE000  }
0x4b: {  	_ =	swait.ge [sflag:s24], $0x2000  }
0x4c: {  	[sflag:s24] =	ssyncset.done $0x0  }
0x4d: {  	s8 =	sadd.s32 $0x15400, s1;
	[sflag:s24] =	ssyncadd.s32 $0xFFFFE000  }
0x4e: {  	[spmem:s2] =	stream.indirect.scatter.add.f32 [tilespmem:s18], [sflag:$0x5], $0x80, s8, s25, $0xb8;
	[tilespmem:$0x1E800] =	vst v63  }
0x4f: {  	_ =	swait.ge [sflag:s14], $0x4000  }
0x50: {  	[sflag:s14] =	ssyncset.done $0x0  }
0x51: {  	s8 =	sadd.s32 $0x14100, s1;
	[sflag:s14] =	ssyncadd.s32 $0xFFFFC000  }
0x52: {  	[tilespmem:s18], [sflag:$0x1] =	stream.indirect.gather [hbm4b:s4+s17], $0x80, s8, s17, $0xb8;
	[tilespmem:$0x1E800] =	vst v63  }
0x53: {  	s8 =	sadd.s32 $0x14140, s1  }
0x54: {  	[tilespmem:s20], [sflag:$0x3] =	stream.indirect.gather [hbm4b:s4+s17], $0x80, s8, s17, $0xb8;
	[tilespmem:$0x1E800] =	vst v63  }
0x55: {  	_ =	swait.ge [sflag:s26], $0x2000  }
0x56: {  	[sflag:s26] =	ssyncset.done $0x0  }
0x57: {  	[sflag:s26] =	ssyncadd.s32 $0xFFFFE000  }
0x58: {  	_ =	swait.ge [sflag:s28], $0x2000  }
.Ltmp0:
0x59: {  	[sflag:s28] =	ssyncset.done $0x0;
	(pc) =	sbr.rel @p1 .LBB2_3-.Ltmp0, $4  }
0x5a: {  	s1 =	sadd.s32 $0x15480, s1;
	[sflag:s28] =	ssyncadd.s32 $0xFFFFE000  }
0x5b: {  	[spmem:s2] =	stream.indirect.scatter.add.f32 [tilespmem:s21], [sflag:$0x5], $0x80, s1, s25, $0xb8;
	[tilespmem:$0x1E800] =	vst v63  }
0x5c: {  	_ =	swait.ge [sflag:s14], $0x4000  }
0x5d: {  	s8 =	smov.u32 s9;
	s1 =	sshra.s32 s12, $0x2;
	[sflag:s14] =	ssyncset.done $0x0  }
0x5e: {  	s8 =	sadd.s32 $0x14080, s1;
	[sflag:s14] =	ssyncadd.s32 $0xFFFFC000  }
0x5f: {  	[tilespmem:s21], [sflag:$0x2] =	stream.indirect.gather [hbm4b:s4+s17], $0x80, s8, s17, $0xb8;
	[tilespmem:$0x1E800] =	vst v63  }
0x60: {  	s11 =	sadd.s32 $0x140C0, s1  }
0x61: {  	[tilespmem:s22], [sflag:$0x4] =	stream.indirect.gather [hbm4b:s4+s17], $0x80, s11, s17, $0xb8;
	[tilespmem:$0x1E800] =	vst v63  }
0x62: {  	_ =	swait.ge [sflag:s23], $0x2000  }
0x63: {  	[sflag:s23] =	ssyncset.done $0x0  }
0x64: {  	[sflag:s23] =	ssyncadd.s32 $0xFFFFE000  }
0x65: {  	_ =	swait.ge [sflag:s24], $0x2000  }
0x66: {  	[sflag:s24] =	ssyncset.done $0x0  }
0x67: {  	s12 =	sadd.s32 $0x15400, s1;
	[sflag:s24] =	ssyncadd.s32 $0xFFFFE000  }
0x68: {  	[spmem:s2] =	stream.indirect.scatter.add.f32 [tilespmem:s18], [sflag:$0x5], $0x80, s12, s25, $0xb8;
	[tilespmem:$0x1E800] =	vst v63  }
0x69: {  	_ =	swait.ge [sflag:s14], $0x4000  }
0x6a: {  	[sflag:s14] =	ssyncset.done $0x0  }
0x6b: {  	s9 =	sadd.s32 $0x14100, s1;
	[sflag:s14] =	ssyncadd.s32 $0xFFFFC000  }
0x6c: {  	[tilespmem:s18], [sflag:$0x1] =	stream.indirect.gather [hbm4b:s4+s17], $0x80, s9, s17, $0xb8;
	[tilespmem:$0x1E800] =	vst v63  }
0x6d: {  	s11 =	sadd.s32 $0x14140, s1  }
0x6e: {  	[tilespmem:s20], [sflag:$0x3] =	stream.indirect.gather [hbm4b:s4+s17], $0x80, s11, s17, $0xb8;
	[tilespmem:$0x1E800] =	vst v63  }
0x6f: {  	_ =	swait.ge [sflag:s26], $0x2000  }
0x70: {  	[sflag:s26] =	ssyncset.done $0x0  }
0x71: {  	[sflag:s26] =	ssyncadd.s32 $0xFFFFE000  }
0x72: {  	_ =	swait.ge [sflag:s28], $0x2000  }
0x73: {  	[sflag:s28] =	ssyncset.done $0x0  }
0x74: {  	s12 =	sadd.s32 $0x15480, s1;
	[sflag:s28] =	ssyncadd.s32 $0xFFFFE000  }
0x75: {  	[spmem:s2] =	stream.indirect.scatter.add.f32 [tilespmem:s21], [sflag:$0x5], $0x80, s12, s25, $0xb8;
	[tilespmem:$0x1E800] =	vst v63  }
0x76: {  	_ =	swait.ge [sflag:s14], $0x4000  }
0x77: {  	[sflag:s14] =	ssyncset.done $0x0  }
0x78: {  	[sflag:s14] =	ssyncadd.s32 $0xFFFFC000  }
0x79: {  	[tilespmem:s21], [sflag:$0x2] =	stream.indirect.gather [hbm4b:s4+s17], $0x80, s29, s17, $0xb8;
	[tilespmem:$0x1E800] =	vst v63  }
0x7a: {  	_ = 	snop  }
0x7b: {  	[tilespmem:s22], [sflag:$0x4] =	stream.indirect.gather [hbm4b:s4+s17], $0x80, s30, s17, $0xb8;
	[tilespmem:$0x1E800] =	vst v63  }
0x7c: {  	_ =	swait.ge [sflag:s23], $0x2000  }
0x7d: {  	[sflag:s23] =	ssyncset.done $0x0  }
0x7e: {  	[sflag:s23] =	ssyncadd.s32 $0xFFFFE000  }
0x7f: {  	_ =	swait.ge [sflag:s24], $0x2000  }
0x80: {  	[sflag:s24] =	ssyncset.done $0x0  }
0x81: {  	[sflag:s24] =	ssyncadd.s32 $0xFFFFE000  }
0x82: {  	[spmem:s2] =	stream.indirect.scatter.add.f32 [tilespmem:s18], [sflag:$0x5], $0x80, s31, s25, $0xb8;
	[tilespmem:$0x1E800] =	vst v63  }
0x83: {  	_ =	swait.ge [sflag:s14], $0x4000  }
0x84: {  	[sflag:s14] =	ssyncset.done $0x0  }
0x85: {  	[sflag:s14] =	ssyncadd.s32 $0xFFFFC000  }
0x86: {  	_ =	swait.ge [sflag:s26], $0x2000  }
0x87: {  	[sflag:s26] =	ssyncset.done $0x0  }
0x88: {  	[sflag:s26] =	ssyncadd.s32 $0xFFFFE000  }
0x89: {  	_ =	swait.ge [sflag:s28], $0x2000  }
0x8a: {  	[sflag:s28] =	ssyncset.done $0x0  }
.Ltmp1:
0x8b: {  	[sflag:s28] =	ssyncadd.s32 $0xFFFFE000;
	(pc) =	sbr.rel @p0 .LBB2_2-.Ltmp1, $4  }
0x8c: {  	[spmem:s2] =	stream.indirect.scatter.add.f32 [tilespmem:s21], [sflag:$0x5], $0x80, s0, s25, $0xb8;
	[tilespmem:$0x1E800] =	vst v63  }
0x8d: {  	_ =	swait.ge [sflag:s14], $0x4000  }
0x8e: {  	[sflag:s14] =	ssyncset.done $0x0  }
0x8f: {  	p1 =	por $0x0, $0x0;
	s1 =	simm.s32 $0x28;
	[sflag:s14] =	ssyncadd.s32 $0xFFFFC000  }
0x90: {  	[bflag:$0x0] =	sbarrier.arrive $0xFFFF  }
0x91: {  	s1 =	rddreg [dreg:$0x4]  }
0x92: {  	s8 =	rddreg [dreg:$0x6]  }
0x93: {  	[hbm:s1], [sflag:s13] =	dma.local [spmem:s8], $0x2800  }
0x94: {  	_ =	swait.ge [sflag:s14], $0x2800  }
0x95: {  	s9 =	smov.u32 s13;
	s3 =	sadd.s32 $0x1, s3;
	s13 =	rddreg [dreg:$0x5]  }
0x96: {  	p0 =	sne.s32 s3, s13  }
.Ltmp2:
0x97: {  	_ = 	snop;
	(pc) =	sbr.rel @p0 .LBB2_1-.Ltmp2, $3  }
0x98: {  	_ =	sdelay $0x1  }
0x99: {  	[sflag:s14] =	ssyncset.done $0x0  }
0x9a: {  	[sflag:s14] =	ssyncadd.s32 $0xFFFFD800  }
0x9b: {  	_ =	sfence.sel $0x180000  }
0x9c: {  	[bflag:$0x0] =	sbarrier.arrive $0xFFFF  }
0x9d: {  	_ =	strace $0x9000004A  }
0x9e: {  	s0 =	stileid.u32;
	[bflag:$0x2] =	sbarrier.arrive $0xFFFF  }
0x9f: {  	p0 =	sne.s32 s0, $0x0;
	s0 =	rddreg [dreg:$0x2]  }
0xa0: {  	s0 =	sadd.s32 @!p0 $0x100000, s0  }
0xa1: {  	[sflag:s0] =	ssyncadd.tile.s32 @!p0 $0x1;
	_ =	shalt  }
.Lfunc_end2:
_tile_overlayer_lowered:
.L_overlay_start_2:
0xa2: {  	(tag) =	ssettag $0x2  }
0xa3: {  	s0 =	rddreg [dreg:$0x0];
	s2 =	stileid.u32  }
0xa4: {  	s1 =	rddreg [dreg:$0x1];
	p0 =	sne.s32 s2, $0x0  }
0xa5: {  	s3 =	rddreg [dreg:$0x2];
	[bflag:$0x3] =	sbarrier.arrive $0xFFFF;
	s2 =	simm.s32 @!p0 $0x1C05  }
0xa6: {  	[timem:s3], [sflag:s2] =	dma.local @!p0 [hbm:s0], s1  }
0xa7: {  	s0 =	simm.s32 @!p0 $0x5  }
0xa8: {  	_ =	swait.ge @!p0 [sflag:s0], s1  }
0xa9: {  	s1 =	ssub.s32 @!p0 $0x0, s1;
	[sflag:s0] =	ssyncset.done @!p0 $0x0  }
0xaa: {  	[sflag:s0] =	ssyncadd.s32 @!p0 s1  }
0xab: {  	[bflag:$0x3] =	sbarrier.arrive $0xFFFF  }
0xac: {  	_ =	shalt  }

</sc_bundles>
